<compile_context>
chip_gen: v7x
topology: tpu7x:2x2x1
jax: 0.10.2.dev20260603
libtpu: 0.0.44.dev20260713+nightly
codegen_flags: <defaults>
</compile_context>

<pallas_src>
import functools

import jax
import jax.numpy as jnp
from jax import lax
from jax.experimental import pallas as pl
from jax.experimental.pallas import tpu as pltpu
from jax.experimental.pallas import tpu_sc as plsc

B = 16
L = 2048
D = 128
T = B * L
NC = 2
NS = 16
LANES = 16
NVREG = D // LANES
ROWS_PER_W = T // (NC * NS)
CH = 256
NCHUNK = ROWS_PER_W // CH
SLOT = D + LANES

_mesh = plsc.VectorSubcoreMesh(core_axis_name="c", subcore_axis_name="s")


@functools.partial(
    pl.kernel,
    out_type=jax.ShapeDtypeStruct((B, D), jnp.float32),
    mesh=_mesh,
    compiler_params=pltpu.CompilerParams(needs_layout_passes=False,
                                         use_tc_tiling_on_sc=False),
    scratch_types=[
        pltpu.VMEM((2 * CH, D), jnp.float32),
        pltpu.VMEM((ROWS_PER_W,), jnp.int32),
        pltpu.VMEM((SLOT,), jnp.float32),
        pltpu.VMEM((SLOT,), jnp.float32),
        pltpu.VMEM((SLOT,), jnp.float32),
        pltpu.VMEM_SHARED((NS, SLOT), jnp.float32),
        pltpu.SemaphoreType.DMA,
        pltpu.SemaphoreType.DMA,
    ],
)
def _readout(emb_hbm, op_hbm, out_hbm, emb_buf, op_buf, acc_buf, buf_a,
             buf_b, shared, sem0, sem1):
    c = lax.axis_index("c")
    s = lax.axis_index("s")
    graph = c * (B // NC) + s // 2
    half = s % 2
    row0 = graph * L + half * ROWS_PER_W

    pltpu.sync_copy(op_hbm.at[graph, pl.ds(half * ROWS_PER_W, ROWS_PER_W)],
                    op_buf)

    sems = [sem0, sem1]
    pltpu.async_copy(emb_hbm.at[pl.ds(row0, CH)], emb_buf.at[pl.ds(0, CH)],
                     sem0)

    def cnt_body(g, cv):
        opv = op_buf[pl.ds(g * LANES, LANES)]
        return cv + plsc.all_reduce_population_count(opv != 5)

    cntv = lax.fori_loop(0, ROWS_PER_W // LANES, cnt_body,
                         jnp.zeros((LANES,), jnp.int32))

    def chunk_body(k, carry):
        par = k % 2
        boff = par * CH

        for p in range(2):
            @pl.when((k + 1 < NCHUNK) & (par == p))
            def _start(p=p):
                pltpu.async_copy(
                    emb_hbm.at[pl.ds(row0 + (k + 1) * CH, CH)],
                    emb_buf.at[pl.ds((1 - p) * CH, CH)], sems[1 - p])

        for p in range(2):
            @pl.when(par == p)
            def _wait(p=p):
                pltpu.make_async_copy(
                    emb_hbm.at[pl.ds(row0, CH)],
                    emb_buf.at[pl.ds(p * CH, CH)], sems[p]).wait()

        def grp_body(g, gcarry):
            acc = list(gcarry)
            opv = op_buf[pl.ds(k * CH + g * LANES, LANES)]
            maskv = jnp.where(opv != 5, 1.0, 0.0).astype(jnp.float32)
            r0 = boff + g * LANES
            mvs = [jnp.full((LANES,), maskv[i], jnp.float32)
                   for i in range(LANES)]
            for i in range(LANES):
                for j in range(NVREG):
                    row = emb_buf[r0 + i, pl.ds(j * LANES, LANES)]
                    acc[j] = acc[j] + row * mvs[i]
            return tuple(acc)

        return lax.fori_loop(0, CH // LANES, grp_body, carry)

    init = tuple(jnp.zeros((LANES,), jnp.float32) for _ in range(NVREG))
    fin = lax.fori_loop(0, NCHUNK, chunk_body, init)
    accs = list(fin)

    for j in range(NVREG):
        acc_buf[pl.ds(j * LANES, LANES)] = accs[j]
    acc_buf[pl.ds(D, LANES)] = cntv.astype(jnp.float32)

    pltpu.sync_copy(acc_buf, shared.at[s])
    plsc.subcore_barrier()

    @pl.when(half == 0)
    def _combine():
        pltpu.sync_copy(shared.at[s], buf_a)
        pltpu.sync_copy(shared.at[s + 1], buf_b)
        cnt = buf_a[pl.ds(D, LANES)] + buf_b[pl.ds(D, LANES)]
        for j in range(NVREG):
            tot = (buf_a[pl.ds(j * LANES, LANES)] +
                   buf_b[pl.ds(j * LANES, LANES)])
            acc_buf[pl.ds(j * LANES, LANES)] = tot / cnt
        pltpu.sync_copy(acc_buf.at[pl.ds(0, D)], out_hbm.at[graph])


def kernel(node_embeddings, op_idx):
    return _readout(node_embeddings, op_idx.astype(jnp.int32))

# --- scband reference (transcript-rebuilt; emitter-appended) ---
"""Pipeline reference for scband-readout-layer-90847148245287 (READ-ONLY COPY).

The authoritative reference and input builder live on the scoring server;
editing this copy changes nothing except your own understanding.
"""

import jax, jax.numpy as jnp
import numpy as np

B = 16
L = 2048
D = 128
T = B * L

def setup_inputs(seed: int = 0) -> dict:
    key = jax.random.key(seed)
    k1, k2 = jax.random.split(key)
    node_embeddings = jax.random.normal(k1, (T, D), dtype=jnp.float32)
    op_idx = jax.random.randint(k2, (B, L), 0, 8, dtype=jnp.int64)
    return {"node_embeddings": node_embeddings, "op_idx": op_idx}

def reference(node_embeddings, op_idx):
    # Faithful translation of ReadoutLayer.forward with a batched graph whose
    # batch_num_nodes() is [L]*B (equal-size graphs). For each graph i, select
    # its contiguous node slice, keep nodes where op_idx[i] != 5, and take the
    # mean of their embeddings; stack over graphs.
    h = node_embeddings.reshape(B, L, D)
    mask = (op_idx != 5)
    maskf = mask.astype(node_embeddings.dtype)
    # masked mean per graph == mean over selected rows (nodes[mask]).mean(dim=0)
    summed = jnp.einsum('bld,bl->bd', h, maskf)
    counts = maskf.sum(axis=1, keepdims=True)
    hg = summed / counts
    return hg

if False:  # reference __main__ guard neutralized (emitter)
    inp = setup_inputs()
    out = reference(**inp)
    print(out.shape, out.dtype)

if __name__ == "__main__":
    import jax
    _d = setup_inputs()
    print(jax.jit(kernel)(*tuple(_d.values())))

</pallas_src>

<mosaic_0001>
#map = affine_map<(d0, d1) -> (0, 0)>
module attributes {stable_mosaic.version = 14 : i64} {
  func.func @_readout(%arg0: i32, %arg1: i32, %arg2: memref<32768x128xf32, #tpu.memory_space<hbm>>, %arg3: memref<16x2048xi32, #tpu.memory_space<hbm>>, %arg4: memref<16x128xf32, #tpu.memory_space<hbm>>, %arg5: memref<512x128xf32, #tpu.memory_space<vmem>>, %arg6: memref<1024xi32, #tpu.memory_space<vmem>>, %arg7: memref<144xf32, #tpu.memory_space<vmem>>, %arg8: memref<144xf32, #tpu.memory_space<vmem>>, %arg9: memref<144xf32, #tpu.memory_space<vmem>>, %arg10: memref<16x144xf32, #tpu.memory_space<vmem_shared>>, %arg11: memref<!tpu.dma_semaphore, #tpu.memory_space<semaphore_mem>>, %arg12: memref<!tpu.dma_semaphore, #tpu.memory_space<semaphore_mem>>) attributes {dimension_semantics = [#tpu.dimension_semantics<core_parallel>, #tpu.dimension_semantics<subcore_parallel>], iteration_bounds = array<i64: 2, 16>, scalar_prefetch = 0 : i64, scratch_operands = 8 : i64, tpu.core_type = #tpu.core_type<sc_vector_subcore>, window_params = [{transform_indices = #map}, {transform_indices = #map}, {transform_indices = #map}]} {
    %mul3A = arith.constant 8 : i32
    %mul3A_0 = arith.muli %arg0, %mul3A : i32
    %jit3A = arith.constant 2 : i32
    %div3A = arith.divsi %arg1, %jit3A : i32
    %sign3A = arith.constant 0 : i32
    %sign3A_1 = arith.cmpi sgt, %arg1, %sign3A : i32
    %sign3A_2 = arith.extui %sign3A_1 : i1 to i32
    %sign3A_3 = arith.constant 0 : i32
    %sign3A_4 = arith.cmpi slt, %arg1, %sign3A_3 : i32
    %sign3A_5 = arith.extui %sign3A_4 : i1 to i32
    %sign3A_6 = arith.subi %sign3A_2, %sign3A_5 : i32
    %sign3A_7 = arith.constant 0 : i32
    %sign3A_8 = arith.cmpi sgt, %jit3A, %sign3A_7 : i32
    %sign3A_9 = arith.extui %sign3A_8 : i1 to i32
    %sign3A_10 = arith.constant 0 : i32
    %sign3A_11 = arith.cmpi slt, %jit3A, %sign3A_10 : i32
    %sign3A_12 = arith.extui %sign3A_11 : i1 to i32
    %sign3A_13 = arith.subi %sign3A_9, %sign3A_12 : i32
    %ne3A = arith.cmpi ne, %sign3A_6, %sign3A_13 : i32
    %rem3A = arith.remsi %arg1, %jit3A : i32
    %ne3A_14 = arith.constant 0 : i32
    %ne3A_15 = arith.cmpi ne, %rem3A, %ne3A_14 : i32
    %and3A = arith.andi %ne3A, %ne3A_15 : i1
    %sub3A = arith.constant 1 : i32
    %sub3A_16 = arith.subi %div3A, %sub3A : i32
    %select_n3A = arith.select %and3A, %sub3A_16, %div3A : i32
    %add3A = arith.addi %mul3A_0, %select_n3A : i32
    %jit3A_17 = arith.constant 2 : i32
    %eq3A = arith.constant 0 : i32
    %eq3A_18 = arith.cmpi eq, %jit3A_17, %eq3A : i32
    %jit3A_19 = arith.constant 1 : i32
    %select_n3A_20 = arith.select %eq3A_18, %jit3A_19, %jit3A_17 : i32
    %rem3A_21 = arith.remsi %arg1, %select_n3A_20 : i32
    %ne3A_22 = arith.constant 0 : i32
    %ne3A_23 = arith.cmpi ne, %rem3A_21, %ne3A_22 : i32
    %lt3A = arith.constant 0 : i32
    %lt3A_24 = arith.cmpi slt, %rem3A_21, %lt3A : i32
    %lt3A_25 = arith.constant 0 : i32
    %lt3A_26 = arith.cmpi slt, %select_n3A_20, %lt3A_25 : i32
    %ne3A_27 = arith.xori %lt3A_24, %lt3A_26 : i1
    %and3A_28 = arith.andi %ne3A_27, %ne3A_23 : i1
    %add3A_29 = arith.addi %rem3A_21, %select_n3A_20 : i32
    %select_n3A_30 = arith.select %and3A_28, %add3A_29, %rem3A_21 : i32
    %mul3A_31 = arith.constant 2048 : i32
    %mul3A_32 = arith.muli %add3A, %mul3A_31 : i32
    %mul3A_33 = arith.constant 1024 : i32
    %mul3A_34 = arith.muli %select_n3A_30, %mul3A_33 : i32
    %add3A_35 = arith.addi %mul3A_32, %mul3A_34 : i32
    %mul3A_36 = arith.constant 1024 : i32
    %mul3A_37 = arith.muli %select_n3A_30, %mul3A_36 : i32
    "tpu.region"() ({
      %run_scoped3A = tpu.sem_alloc : memref<!tpu.dma_semaphore, #tpu.memory_space<semaphore_mem>>
      %dma_start3A_96 = tpu.memref_slice %arg3[%add3A, %mul3A_37] : memref<16x2048xi32, #tpu.memory_space<hbm>> -> memref<1x1024xi32, #tpu.memory_space<hbm>>
      %dma_start3A_97 = tpu.memref_squeeze %dma_start3A_96 : memref<1x1024xi32, #tpu.memory_space<hbm>> -> memref<1024xi32, #tpu.memory_space<hbm>>
      %dma_start3A_98 = tpu.memref_slice %arg3[%add3A, %mul3A_37] : memref<16x2048xi32, #tpu.memory_space<hbm>> -> memref<1x1024xi32, #tpu.memory_space<hbm>>
      %dma_start3A_99 = tpu.memref_squeeze %dma_start3A_98 : memref<1x1024xi32, #tpu.memory_space<hbm>> -> memref<1024xi32, #tpu.memory_space<hbm>>
      tpu.enqueue_dma source(%dma_start3A_99 : memref<1024xi32, #tpu.memory_space<hbm>>) target(%arg6 : memref<1024xi32, #tpu.memory_space<vmem>>) target_semaphore(%run_scoped3A : memref<!tpu.dma_semaphore, #tpu.memory_space<semaphore_mem>>)
      %dma_wait3A = tpu.memref_slice %arg3[%add3A, %mul3A_37] : memref<16x2048xi32, #tpu.memory_space<hbm>> -> memref<1x1024xi32, #tpu.memory_space<hbm>>
      %dma_wait3A_100 = tpu.memref_squeeze %dma_wait3A : memref<1x1024xi32, #tpu.memory_space<hbm>> -> memref<1024xi32, #tpu.memory_space<hbm>>
      %dma_wait3A_101 = tpu.memref_slice %arg3[%add3A, %mul3A_37] : memref<16x2048xi32, #tpu.memory_space<hbm>> -> memref<1x1024xi32, #tpu.memory_space<hbm>>
      %dma_wait3A_102 = tpu.memref_squeeze %dma_wait3A_101 : memref<1x1024xi32, #tpu.memory_space<hbm>> -> memref<1024xi32, #tpu.memory_space<hbm>>
      tpu.wait_dma2 semaphore(%run_scoped3A : memref<!tpu.dma_semaphore, #tpu.memory_space<semaphore_mem>>) src(%dma_wait3A_102 : memref<1024xi32, #tpu.memory_space<hbm>>) dst(%arg6 : memref<1024xi32, #tpu.memory_space<vmem>>)
      tpu.yield
    }) : () -> ()
    %dma_start3A = arith.constant 0 : i32
    %dma_start3A_38 = arith.constant 0 : i32
    %dma_start3A_39 = tpu.memref_slice %arg5[%dma_start3A, %dma_start3A_38] : memref<512x128xf32, #tpu.memory_space<vmem>> -> memref<256x128xf32, #tpu.memory_space<vmem>>
    %dma_start3A_40 = arith.constant 0 : i32
    %dma_start3A_41 = tpu.memref_slice %arg2[%add3A_35, %dma_start3A_40] : memref<32768x128xf32, #tpu.memory_space<hbm>> -> memref<256x128xf32, #tpu.memory_space<hbm>>
    %dma_start3A_42 = arith.constant 0 : i32
    %dma_start3A_43 = arith.constant 0 : i32
    %dma_start3A_44 = tpu.memref_slice %arg5[%dma_start3A_42, %dma_start3A_43] : memref<512x128xf32, #tpu.memory_space<vmem>> -> memref<256x128xf32, #tpu.memory_space<vmem>>
    %dma_start3A_45 = arith.constant 0 : i32
    %dma_start3A_46 = tpu.memref_slice %arg2[%add3A_35, %dma_start3A_45] : memref<32768x128xf32, #tpu.memory_space<hbm>> -> memref<256x128xf32, #tpu.memory_space<hbm>>
    tpu.enqueue_dma source(%dma_start3A_46 : memref<256x128xf32, #tpu.memory_space<hbm>>) target(%dma_start3A_44 : memref<256x128xf32, #tpu.memory_space<vmem>>) target_semaphore(%arg11 : memref<!tpu.dma_semaphore, #tpu.memory_space<semaphore_mem>>)
    %broadcast_in_dim3A = arith.constant 0 : i32
    %broadcast_in_dim3A_47 = vector.broadcast %broadcast_in_dim3A : i32 to vector<16xi32>
    %scan3A = arith.constant 0 : i32
    %scan3A_48 = arith.constant 64 : i32
    %scan3A_49 = arith.addi %scan3A, %scan3A_48 : i32
    %scan3A_50 = arith.constant 1 : i32
    %scan3A_51 = scf.for %scan3A_96 = %scan3A to %scan3A_49 step %scan3A_50 iter_args(%scan3A_97 = %broadcast_in_dim3A_47) -> (vector<16xi32>)  : i32 {
      %mul3A_98 = arith.constant 16 : i32
      %mul3A_99 = arith.muli %scan3A_96, %mul3A_98 : i32
      %get3A = arith.index_cast %mul3A_99 : i32 to index
      %get3A_100 = tpu.vector_load %arg6[%get3A] {strides = array<i32>} : memref<1024xi32, #tpu.memory_space<vmem>>, vector<16xi32>,
      %ne3A_101 = arith.constant 5 : i32
      %ne3A_102 = vector.broadcast %ne3A_101 : i32 to vector<16xi32>
      %ne3A_103 = arith.cmpi ne, %get3A_100, %ne3A_102 : vector<16xi32>
      %all_reduce_population_count3A = tpu.all_reduce %ne3A_103 {dim = 0 : i64, kind = #tpu.reduction_kind<sum>} : vector<16xi1> -> vector<16xi32>
      %add3A_104 = arith.addi %scan3A_97, %all_reduce_population_count3A : vector<16xi32>
      scf.yield %add3A_104 : vector<16xi32>
    }
    %scan3A_52 = arith.constant 64 : i32
    %broadcast_in_dim3A_53 = arith.constant 0.000000e+00 : f32
    %broadcast_in_dim3A_54 = vector.broadcast %broadcast_in_dim3A_53 : f32 to vector<16xf32>
    %broadcast_in_dim3A_55 = arith.constant 0.000000e+00 : f32
    %broadcast_in_dim3A_56 = vector.broadcast %broadcast_in_dim3A_55 : f32 to vector<16xf32>
    %broadcast_in_dim3A_57 = arith.constant 0.000000e+00 : f32
    %broadcast_in_dim3A_58 = vector.broadcast %broadcast_in_dim3A_57 : f32 to vector<16xf32>
    %broadcast_in_dim3A_59 = arith.constant 0.000000e+00 : f32
    %broadcast_in_dim3A_60 = vector.broadcast %broadcast_in_dim3A_59 : f32 to vector<16xf32>
    %broadcast_in_dim3A_61 = arith.constant 0.000000e+00 : f32
    %broadcast_in_dim3A_62 = vector.broadcast %broadcast_in_dim3A_61 : f32 to vector<16xf32>
    %broadcast_in_dim3A_63 = arith.constant 0.000000e+00 : f32
    %broadcast_in_dim3A_64 = vector.broadcast %broadcast_in_dim3A_63 : f32 to vector<16xf32>
    %broadcast_in_dim3A_65 = arith.constant 0.000000e+00 : f32
    %broadcast_in_dim3A_66 = vector.broadcast %broadcast_in_dim3A_65 : f32 to vector<16xf32>
    %broadcast_in_dim3A_67 = arith.constant 0.000000e+00 : f32
    %broadcast_in_dim3A_68 = vector.broadcast %broadcast_in_dim3A_67 : f32 to vector<16xf32>
    %scan3A_69 = arith.constant 0 : i32
    %scan3A_70 = arith.constant 4 : i32
    %scan3A_71 = arith.addi %scan3A_69, %scan3A_70 : i32
    %scan3A_72 = arith.constant 1 : i32
    %scan3A_73:8 = scf.for %scan3A_96 = %scan3A_69 to %scan3A_71 step %scan3A_72 iter_args(%scan3A_97 = %broadcast_in_dim3A_54, %scan3A_98 = %broadcast_in_dim3A_56, %scan3A_99 = %broadcast_in_dim3A_58, %scan3A_100 = %broadcast_in_dim3A_60, %scan3A_101 = %broadcast_in_dim3A_62, %scan3A_102 = %broadcast_in_dim3A_64, %scan3A_103 = %broadcast_in_dim3A_66, %scan3A_104 = %broadcast_in_dim3A_68) -> (vector<16xf32>, vector<16xf32>, vector<16xf32>, vector<16xf32>, vector<16xf32>, vector<16xf32>, vector<16xf32>, vector<16xf32>)  : i32 {
      %jit3A_105 = arith.constant 2 : i32
      %eq3A_106 = arith.constant 0 : i32
      %eq3A_107 = arith.cmpi eq, %jit3A_105, %eq3A_106 : i32
      %jit3A_108 = arith.constant 1 : i32
      %select_n3A_109 = arith.select %eq3A_107, %jit3A_108, %jit3A_105 : i32
      %rem3A_110 = arith.remsi %scan3A_96, %select_n3A_109 : i32
      %ne3A_111 = arith.constant 0 : i32
      %ne3A_112 = arith.cmpi ne, %rem3A_110, %ne3A_111 : i32
      %lt3A_113 = arith.constant 0 : i32
      %lt3A_114 = arith.cmpi slt, %rem3A_110, %lt3A_113 : i32
      %lt3A_115 = arith.constant 0 : i32
      %lt3A_116 = arith.cmpi slt, %select_n3A_109, %lt3A_115 : i32
      %ne3A_117 = arith.xori %lt3A_114, %lt3A_116 : i1
      %and3A_118 = arith.andi %ne3A_117, %ne3A_112 : i1
      %add3A_119 = arith.addi %rem3A_110, %select_n3A_109 : i32
      %select_n3A_120 = arith.select %and3A_118, %add3A_119, %rem3A_110 : i32
      %mul3A_121 = arith.constant 256 : i32
      %mul3A_122 = arith.muli %select_n3A_120, %mul3A_121 : i32
      %add3A_123 = arith.constant 1 : i32
      %add3A_124 = arith.addi %scan3A_96, %add3A_123 : i32
      %lt3A_125 = arith.constant 4 : i32
      %lt3A_126 = arith.cmpi slt, %add3A_124, %lt3A_125 : i32
      %eq3A_127 = arith.constant 0 : i32
      %eq3A_128 = arith.cmpi eq, %select_n3A_120, %eq3A_127 : i32
      %and3A_129 = arith.andi %lt3A_126, %eq3A_128 : i1
      %convert_element_type3A_130 = arith.extui %and3A_129 : i1 to i32
      %cond3A_131 = arith.constant 0 : i32
      %cond3A_132 = arith.cmpi ne, %convert_element_type3A_130, %cond3A_131 : i32
      scf.if %cond3A_132 {
        %add3A_159 = arith.constant 1 : i32
        %add3A_160 = arith.addi %scan3A_96, %add3A_159 : i32
        %mul3A_161 = arith.constant 256 : i32
        %mul3A_162 = arith.muli %add3A_160, %mul3A_161 : i32
        %add3A_163 = arith.addi %add3A_35, %mul3A_162 : i32
        %dma_start3A_164 = arith.constant 256 : i32
        %dma_start3A_165 = arith.constant 0 : i32
        %dma_start3A_166 = tpu.memref_slice %arg5[%dma_start3A_164, %dma_start3A_165] : memref<512x128xf32, #tpu.memory_space<vmem>> -> memref<256x128xf32, #tpu.memory_space<vmem>>
        %dma_start3A_167 = arith.constant 0 : i32
        %dma_start3A_168 = tpu.memref_slice %arg2[%add3A_163, %dma_start3A_167] : memref<32768x128xf32, #tpu.memory_space<hbm>> -> memref<256x128xf32, #tpu.memory_space<hbm>>
        %dma_start3A_169 = arith.constant 256 : i32
        %dma_start3A_170 = arith.constant 0 : i32
        %dma_start3A_171 = tpu.memref_slice %arg5[%dma_start3A_169, %dma_start3A_170] : memref<512x128xf32, #tpu.memory_space<vmem>> -> memref<256x128xf32, #tpu.memory_space<vmem>>
        %dma_start3A_172 = arith.constant 0 : i32
        %dma_start3A_173 = tpu.memref_slice %arg2[%add3A_163, %dma_start3A_172] : memref<32768x128xf32, #tpu.memory_space<hbm>> -> memref<256x128xf32, #tpu.memory_space<hbm>>
        tpu.enqueue_dma source(%dma_start3A_173 : memref<256x128xf32, #tpu.memory_space<hbm>>) target(%dma_start3A_171 : memref<256x128xf32, #tpu.memory_space<vmem>>) target_semaphore(%arg12 : memref<!tpu.dma_semaphore, #tpu.memory_space<semaphore_mem>>)
      } else {
      }
      %add3A_133 = arith.constant 1 : i32
      %add3A_134 = arith.addi %scan3A_96, %add3A_133 : i32
      %lt3A_135 = arith.constant 4 : i32
      %lt3A_136 = arith.cmpi slt, %add3A_134, %lt3A_135 : i32
      %eq3A_137 = arith.constant 1 : i32
      %eq3A_138 = arith.cmpi eq, %select_n3A_120, %eq3A_137 : i32
      %and3A_139 = arith.andi %lt3A_136, %eq3A_138 : i1
      %convert_element_type3A_140 = arith.extui %and3A_139 : i1 to i32
      %cond3A_141 = arith.constant 0 : i32
      %cond3A_142 = arith.cmpi ne, %convert_element_type3A_140, %cond3A_141 : i32
      scf.if %cond3A_142 {
        %add3A_159 = arith.constant 1 : i32
        %add3A_160 = arith.addi %scan3A_96, %add3A_159 : i32
        %mul3A_161 = arith.constant 256 : i32
        %mul3A_162 = arith.muli %add3A_160, %mul3A_161 : i32
        %add3A_163 = arith.addi %add3A_35, %mul3A_162 : i32
        %dma_start3A_164 = arith.constant 0 : i32
        %dma_start3A_165 = arith.constant 0 : i32
        %dma_start3A_166 = tpu.memref_slice %arg5[%dma_start3A_164, %dma_start3A_165] : memref<512x128xf32, #tpu.memory_space<vmem>> -> memref<256x128xf32, #tpu.memory_space<vmem>>
        %dma_start3A_167 = arith.constant 0 : i32
        %dma_start3A_168 = tpu.memref_slice %arg2[%add3A_163, %dma_start3A_167] : memref<32768x128xf32, #tpu.memory_space<hbm>> -> memref<256x128xf32, #tpu.memory_space<hbm>>
        %dma_start3A_169 = arith.constant 0 : i32
        %dma_start3A_170 = arith.constant 0 : i32
        %dma_start3A_171 = tpu.memref_slice %arg5[%dma_start3A_169, %dma_start3A_170] : memref<512x128xf32, #tpu.memory_space<vmem>> -> memref<256x128xf32, #tpu.memory_space<vmem>>
        %dma_start3A_172 = arith.constant 0 : i32
        %dma_start3A_173 = tpu.memref_slice %arg2[%add3A_163, %dma_start3A_172] : memref<32768x128xf32, #tpu.memory_space<hbm>> -> memref<256x128xf32, #tpu.memory_space<hbm>>
        tpu.enqueue_dma source(%dma_start3A_173 : memref<256x128xf32, #tpu.memory_space<hbm>>) target(%dma_start3A_171 : memref<256x128xf32, #tpu.memory_space<vmem>>) target_semaphore(%arg11 : memref<!tpu.dma_semaphore, #tpu.memory_space<semaphore_mem>>)
      } else {
      }
      %eq3A_143 = arith.constant 0 : i32
      %eq3A_144 = arith.cmpi eq, %select_n3A_120, %eq3A_143 : i32
      %convert_element_type3A_145 = arith.extui %eq3A_144 : i1 to i32
      %cond3A_146 = arith.constant 0 : i32
      %cond3A_147 = arith.cmpi ne, %convert_element_type3A_145, %cond3A_146 : i32
      scf.if %cond3A_147 {
        %dma_wait3A = arith.constant 0 : i32
        %dma_wait3A_159 = arith.constant 0 : i32
        %dma_wait3A_160 = tpu.memref_slice %arg5[%dma_wait3A, %dma_wait3A_159] : memref<512x128xf32, #tpu.memory_space<vmem>> -> memref<256x128xf32, #tpu.memory_space<vmem>>
        %dma_wait3A_161 = arith.constant 0 : i32
        %dma_wait3A_162 = tpu.memref_slice %arg2[%add3A_35, %dma_wait3A_161] : memref<32768x128xf32, #tpu.memory_space<hbm>> -> memref<256x128xf32, #tpu.memory_space<hbm>>
        %dma_wait3A_163 = arith.constant 0 : i32
        %dma_wait3A_164 = arith.constant 0 : i32
        %dma_wait3A_165 = tpu.memref_slice %arg5[%dma_wait3A_163, %dma_wait3A_164] : memref<512x128xf32, #tpu.memory_space<vmem>> -> memref<256x128xf32, #tpu.memory_space<vmem>>
        %dma_wait3A_166 = arith.constant 0 : i32
        %dma_wait3A_167 = tpu.memref_slice %arg2[%add3A_35, %dma_wait3A_166] : memref<32768x128xf32, #tpu.memory_space<hbm>> -> memref<256x128xf32, #tpu.memory_space<hbm>>
        tpu.wait_dma2 semaphore(%arg11 : memref<!tpu.dma_semaphore, #tpu.memory_space<semaphore_mem>>) src(%dma_wait3A_167 : memref<256x128xf32, #tpu.memory_space<hbm>>) dst(%dma_wait3A_165 : memref<256x128xf32, #tpu.memory_space<vmem>>)
      } else {
      }
      %eq3A_148 = arith.constant 1 : i32
      %eq3A_149 = arith.cmpi eq, %select_n3A_120, %eq3A_148 : i32
      %convert_element_type3A_150 = arith.extui %eq3A_149 : i1 to i32
      %cond3A_151 = arith.constant 0 : i32
      %cond3A_152 = arith.cmpi ne, %convert_element_type3A_150, %cond3A_151 : i32
      scf.if %cond3A_152 {
        %dma_wait3A = arith.constant 256 : i32
        %dma_wait3A_159 = arith.constant 0 : i32
        %dma_wait3A_160 = tpu.memref_slice %arg5[%dma_wait3A, %dma_wait3A_159] : memref<512x128xf32, #tpu.memory_space<vmem>> -> memref<256x128xf32, #tpu.memory_space<vmem>>
        %dma_wait3A_161 = arith.constant 0 : i32
        %dma_wait3A_162 = tpu.memref_slice %arg2[%add3A_35, %dma_wait3A_161] : memref<32768x128xf32, #tpu.memory_space<hbm>> -> memref<256x128xf32, #tpu.memory_space<hbm>>
        %dma_wait3A_163 = arith.constant 256 : i32
        %dma_wait3A_164 = arith.constant 0 : i32
        %dma_wait3A_165 = tpu.memref_slice %arg5[%dma_wait3A_163, %dma_wait3A_164] : memref<512x128xf32, #tpu.memory_space<vmem>> -> memref<256x128xf32, #tpu.memory_space<vmem>>
        %dma_wait3A_166 = arith.constant 0 : i32
        %dma_wait3A_167 = tpu.memref_slice %arg2[%add3A_35, %dma_wait3A_166] : memref<32768x128xf32, #tpu.memory_space<hbm>> -> memref<256x128xf32, #tpu.memory_space<hbm>>
        tpu.wait_dma2 semaphore(%arg12 : memref<!tpu.dma_semaphore, #tpu.memory_space<semaphore_mem>>) src(%dma_wait3A_167 : memref<256x128xf32, #tpu.memory_space<hbm>>) dst(%dma_wait3A_165 : memref<256x128xf32, #tpu.memory_space<vmem>>)
      } else {
      }
      %scan3A_153 = arith.constant 0 : i32
      %scan3A_154 = arith.constant 16 : i32
      %scan3A_155 = arith.addi %scan3A_153, %scan3A_154 : i32
      %scan3A_156 = arith.constant 1 : i32
      %scan3A_157:8 = scf.for %scan3A_159 = %scan3A_153 to %scan3A_155 step %scan3A_156 iter_args(%scan3A_160 = %scan3A_97, %scan3A_161 = %scan3A_98, %scan3A_162 = %scan3A_99, %scan3A_163 = %scan3A_100, %scan3A_164 = %scan3A_101, %scan3A_165 = %scan3A_102, %scan3A_166 = %scan3A_103, %scan3A_167 = %scan3A_104) -> (vector<16xf32>, vector<16xf32>, vector<16xf32>, vector<16xf32>, vector<16xf32>, vector<16xf32>, vector<16xf32>, vector<16xf32>)  : i32 {
        %mul3A_168 = arith.constant 256 : i32
        %mul3A_169 = arith.muli %scan3A_96, %mul3A_168 : i32
        %mul3A_170 = arith.constant 16 : i32
        %mul3A_171 = arith.muli %scan3A_159, %mul3A_170 : i32
        %add3A_172 = arith.addi %mul3A_169, %mul3A_171 : i32
        %get3A = arith.index_cast %add3A_172 : i32 to index
        %get3A_173 = tpu.vector_load %arg6[%get3A] {strides = array<i32>} : memref<1024xi32, #tpu.memory_space<vmem>>, vector<16xi32>,
        %ne3A_174 = arith.constant 5 : i32
        %ne3A_175 = vector.broadcast %ne3A_174 : i32 to vector<16xi32>
        %ne3A_176 = arith.cmpi ne, %get3A_173, %ne3A_175 : vector<16xi32>
        %jit3A_177 = arith.constant 1.000000e+00 : f32
        %jit3A_178 = arith.constant 0.000000e+00 : f32
        %broadcast_in_dim3A_179 = vector.broadcast %jit3A_177 : f32 to vector<16xf32>
        %broadcast_in_dim3A_180 = vector.broadcast %jit3A_178 : f32 to vector<16xf32>
        %select_n3A_181 = arith.select %ne3A_176, %broadcast_in_dim3A_179, %broadcast_in_dim3A_180 : vector<16xi1>, vector<16xf32>
        %mul3A_182 = arith.constant 16 : i32
        %mul3A_183 = arith.muli %scan3A_159, %mul3A_182 : i32
        %add3A_184 = arith.addi %mul3A_122, %mul3A_183 : i32
        %slice3A = vector.extract_strided_slice %select_n3A_181 {offsets = [0], sizes = [1], strides = [1]} : vector<16xf32> to vector<1xf32>
        %squeeze3A = vector.extract %slice3A[0] : f32 from vector<1xf32>
        %broadcast_in_dim3A_185 = vector.broadcast %squeeze3A : f32 to vector<16xf32>
        %slice3A_186 = vector.extract_strided_slice %select_n3A_181 {offsets = [1], sizes = [1], strides = [1]} : vector<16xf32> to vector<1xf32>
        %squeeze3A_187 = vector.extract %slice3A_186[0] : f32 from vector<1xf32>
        %broadcast_in_dim3A_188 = vector.broadcast %squeeze3A_187 : f32 to vector<16xf32>
        %slice3A_189 = vector.extract_strided_slice %select_n3A_181 {offsets = [2], sizes = [1], strides = [1]} : vector<16xf32> to vector<1xf32>
        %squeeze3A_190 = vector.extract %slice3A_189[0] : f32 from vector<1xf32>
        %broadcast_in_dim3A_191 = vector.broadcast %squeeze3A_190 : f32 to vector<16xf32>
        %slice3A_192 = vector.extract_strided_slice %select_n3A_181 {offsets = [3], sizes = [1], strides = [1]} : vector<16xf32> to vector<1xf32>
        %squeeze3A_193 = vector.extract %slice3A_192[0] : f32 from vector<1xf32>
        %broadcast_in_dim3A_194 = vector.broadcast %squeeze3A_193 : f32 to vector<16xf32>
        %slice3A_195 = vector.extract_strided_slice %select_n3A_181 {offsets = [4], sizes = [1], strides = [1]} : vector<16xf32> to vector<1xf32>
        %squeeze3A_196 = vector.extract %slice3A_195[0] : f32 from vector<1xf32>
        %broadcast_in_dim3A_197 = vector.broadcast %squeeze3A_196 : f32 to vector<16xf32>
        %slice3A_198 = vector.extract_strided_slice %select_n3A_181 {offsets = [5], sizes = [1], strides = [1]} : vector<16xf32> to vector<1xf32>
        %squeeze3A_199 = vector.extract %slice3A_198[0] : f32 from vector<1xf32>
        %broadcast_in_dim3A_200 = vector.broadcast %squeeze3A_199 : f32 to vector<16xf32>
        %slice3A_201 = vector.extract_strided_slice %select_n3A_181 {offsets = [6], sizes = [1], strides = [1]} : vector<16xf32> to vector<1xf32>
        %squeeze3A_202 = vector.extract %slice3A_201[0] : f32 from vector<1xf32>
        %broadcast_in_dim3A_203 = vector.broadcast %squeeze3A_202 : f32 to vector<16xf32>
        %slice3A_204 = vector.extract_strided_slice %select_n3A_181 {offsets = [7], sizes = [1], strides = [1]} : vector<16xf32> to vector<1xf32>
        %squeeze3A_205 = vector.extract %slice3A_204[0] : f32 from vector<1xf32>
        %broadcast_in_dim3A_206 = vector.broadcast %squeeze3A_205 : f32 to vector<16xf32>
        %slice3A_207 = vector.extract_strided_slice %select_n3A_181 {offsets = [8], sizes = [1], strides = [1]} : vector<16xf32> to vector<1xf32>
        %squeeze3A_208 = vector.extract %slice3A_207[0] : f32 from vector<1xf32>
        %broadcast_in_dim3A_209 = vector.broadcast %squeeze3A_208 : f32 to vector<16xf32>
        %slice3A_210 = vector.extract_strided_slice %select_n3A_181 {offsets = [9], sizes = [1], strides = [1]} : vector<16xf32> to vector<1xf32>
        %squeeze3A_211 = vector.extract %slice3A_210[0] : f32 from vector<1xf32>
        %broadcast_in_dim3A_212 = vector.broadcast %squeeze3A_211 : f32 to vector<16xf32>
        %slice3A_213 = vector.extract_strided_slice %select_n3A_181 {offsets = [10], sizes = [1], strides = [1]} : vector<16xf32> to vector<1xf32>
        %squeeze3A_214 = vector.extract %slice3A_213[0] : f32 from vector<1xf32>
        %broadcast_in_dim3A_215 = vector.broadcast %squeeze3A_214 : f32 to vector<16xf32>
        %slice3A_216 = vector.extract_strided_slice %select_n3A_181 {offsets = [11], sizes = [1], strides = [1]} : vector<16xf32> to vector<1xf32>
        %squeeze3A_217 = vector.extract %slice3A_216[0] : f32 from vector<1xf32>
        %broadcast_in_dim3A_218 = vector.broadcast %squeeze3A_217 : f32 to vector<16xf32>
        %slice3A_219 = vector.extract_strided_slice %select_n3A_181 {offsets = [12], sizes = [1], strides = [1]} : vector<16xf32> to vector<1xf32>
        %squeeze3A_220 = vector.extract %slice3A_219[0] : f32 from vector<1xf32>
        %broadcast_in_dim3A_221 = vector.broadcast %squeeze3A_220 : f32 to vector<16xf32>
        %slice3A_222 = vector.extract_strided_slice %select_n3A_181 {offsets = [13], sizes = [1], strides = [1]} : vector<16xf32> to vector<1xf32>
        %squeeze3A_223 = vector.extract %slice3A_222[0] : f32 from vector<1xf32>
        %broadcast_in_dim3A_224 = vector.broadcast %squeeze3A_223 : f32 to vector<16xf32>
        %slice3A_225 = vector.extract_strided_slice %select_n3A_181 {offsets = [14], sizes = [1], strides = [1]} : vector<16xf32> to vector<1xf32>
        %squeeze3A_226 = vector.extract %slice3A_225[0] : f32 from vector<1xf32>
        %broadcast_in_dim3A_227 = vector.broadcast %squeeze3A_226 : f32 to vector<16xf32>
        %slice3A_228 = vector.extract_strided_slice %select_n3A_181 {offsets = [15], sizes = [1], strides = [1]} : vector<16xf32> to vector<1xf32>
        %squeeze3A_229 = vector.extract %slice3A_228[0] : f32 from vector<1xf32>
        %broadcast_in_dim3A_230 = vector.broadcast %squeeze3A_229 : f32 to vector<16xf32>
        %add3A_231 = arith.constant 0 : i32
        %add3A_232 = arith.addi %add3A_184, %add3A_231 : i32
        %get3A_233 = arith.index_cast %add3A_232 : i32 to index
        %get3A_234 = arith.constant 0 : index
        %get3A_235 = tpu.vector_load %arg5[%get3A_233, %get3A_234] {strides = array<i32>} : memref<512x128xf32, #tpu.memory_space<vmem>>, vector<16xf32>,
        %mul3A_236 = arith.mulf %get3A_235, %broadcast_in_dim3A_185 : vector<16xf32>
        %add3A_237 = arith.addf %scan3A_160, %mul3A_236 : vector<16xf32>
        %add3A_238 = arith.constant 0 : i32
        %add3A_239 = arith.addi %add3A_184, %add3A_238 : i32
        %get3A_240 = arith.index_cast %add3A_239 : i32 to index
        %get3A_241 = arith.constant 16 : index
        %get3A_242 = tpu.vector_load %arg5[%get3A_240, %get3A_241] {strides = array<i32>} : memref<512x128xf32, #tpu.memory_space<vmem>>, vector<16xf32>,
        %mul3A_243 = arith.mulf %get3A_242, %broadcast_in_dim3A_185 : vector<16xf32>
        %add3A_244 = arith.addf %scan3A_161, %mul3A_243 : vector<16xf32>
        %add3A_245 = arith.constant 0 : i32
        %add3A_246 = arith.addi %add3A_184, %add3A_245 : i32
        %get3A_247 = arith.index_cast %add3A_246 : i32 to index
        %get3A_248 = arith.constant 32 : index
        %get3A_249 = tpu.vector_load %arg5[%get3A_247, %get3A_248] {strides = array<i32>} : memref<512x128xf32, #tpu.memory_space<vmem>>, vector<16xf32>,
        %mul3A_250 = arith.mulf %get3A_249, %broadcast_in_dim3A_185 : vector<16xf32>
        %add3A_251 = arith.addf %scan3A_162, %mul3A_250 : vector<16xf32>
        %add3A_252 = arith.constant 0 : i32
        %add3A_253 = arith.addi %add3A_184, %add3A_252 : i32
        %get3A_254 = arith.index_cast %add3A_253 : i32 to index
        %get3A_255 = arith.constant 48 : index
        %get3A_256 = tpu.vector_load %arg5[%get3A_254, %get3A_255] {strides = array<i32>} : memref<512x128xf32, #tpu.memory_space<vmem>>, vector<16xf32>,
        %mul3A_257 = arith.mulf %get3A_256, %broadcast_in_dim3A_185 : vector<16xf32>
        %add3A_258 = arith.addf %scan3A_163, %mul3A_257 : vector<16xf32>
        %add3A_259 = arith.constant 0 : i32
        %add3A_260 = arith.addi %add3A_184, %add3A_259 : i32
        %get3A_261 = arith.index_cast %add3A_260 : i32 to index
        %get3A_262 = arith.constant 64 : index
        %get3A_263 = tpu.vector_load %arg5[%get3A_261, %get3A_262] {strides = array<i32>} : memref<512x128xf32, #tpu.memory_space<vmem>>, vector<16xf32>,
        %mul3A_264 = arith.mulf %get3A_263, %broadcast_in_dim3A_185 : vector<16xf32>
        %add3A_265 = arith.addf %scan3A_164, %mul3A_264 : vector<16xf32>
        %add3A_266 = arith.constant 0 : i32
        %add3A_267 = arith.addi %add3A_184, %add3A_266 : i32
        %get3A_268 = arith.index_cast %add3A_267 : i32 to index
        %get3A_269 = arith.constant 80 : index
        %get3A_270 = tpu.vector_load %arg5[%get3A_268, %get3A_269] {strides = array<i32>} : memref<512x128xf32, #tpu.memory_space<vmem>>, vector<16xf32>,
        %mul3A_271 = arith.mulf %get3A_270, %broadcast_in_dim3A_185 : vector<16xf32>
        %add3A_272 = arith.addf %scan3A_165, %mul3A_271 : vector<16xf32>
        %add3A_273 = arith.constant 0 : i32
        %add3A_274 = arith.addi %add3A_184, %add3A_273 : i32
        %get3A_275 = arith.index_cast %add3A_274 : i32 to index
        %get3A_276 = arith.constant 96 : index
        %get3A_277 = tpu.vector_load %arg5[%get3A_275, %get3A_276] {strides = array<i32>} : memref<512x128xf32, #tpu.memory_space<vmem>>, vector<16xf32>,
        %mul3A_278 = arith.mulf %get3A_277, %broadcast_in_dim3A_185 : vector<16xf32>
        %add3A_279 = arith.addf %scan3A_166, %mul3A_278 : vector<16xf32>
        %add3A_280 = arith.constant 0 : i32
        %add3A_281 = arith.addi %add3A_184, %add3A_280 : i32
        %get3A_282 = arith.index_cast %add3A_281 : i32 to index
        %get3A_283 = arith.constant 112 : index
        %get3A_284 = tpu.vector_load %arg5[%get3A_282, %get3A_283] {strides = array<i32>} : memref<512x128xf32, #tpu.memory_space<vmem>>, vector<16xf32>,
        %mul3A_285 = arith.mulf %get3A_284, %broadcast_in_dim3A_185 : vector<16xf32>
        %add3A_286 = arith.addf %scan3A_167, %mul3A_285 : vector<16xf32>
        %add3A_287 = arith.constant 1 : i32
        %add3A_288 = arith.addi %add3A_184, %add3A_287 : i32
        %get3A_289 = arith.index_cast %add3A_288 : i32 to index
        %get3A_290 = arith.constant 0 : index
        %get3A_291 = tpu.vector_load %arg5[%get3A_289, %get3A_290] {strides = array<i32>} : memref<512x128xf32, #tpu.memory_space<vmem>>, vector<16xf32>,
        %mul3A_292 = arith.mulf %get3A_291, %broadcast_in_dim3A_188 : vector<16xf32>
        %add3A_293 = arith.addf %add3A_237, %mul3A_292 : vector<16xf32>
        %add3A_294 = arith.constant 1 : i32
        %add3A_295 = arith.addi %add3A_184, %add3A_294 : i32
        %get3A_296 = arith.index_cast %add3A_295 : i32 to index
        %get3A_297 = arith.constant 16 : index
        %get3A_298 = tpu.vector_load %arg5[%get3A_296, %get3A_297] {strides = array<i32>} : memref<512x128xf32, #tpu.memory_space<vmem>>, vector<16xf32>,
        %mul3A_299 = arith.mulf %get3A_298, %broadcast_in_dim3A_188 : vector<16xf32>
        %add3A_300 = arith.addf %add3A_244, %mul3A_299 : vector<16xf32>
        %add3A_301 = arith.constant 1 : i32
        %add3A_302 = arith.addi %add3A_184, %add3A_301 : i32
        %get3A_303 = arith.index_cast %add3A_302 : i32 to index
        %get3A_304 = arith.constant 32 : index
        %get3A_305 = tpu.vector_load %arg5[%get3A_303, %get3A_304] {strides = array<i32>} : memref<512x128xf32, #tpu.memory_space<vmem>>, vector<16xf32>,
        %mul3A_306 = arith.mulf %get3A_305, %broadcast_in_dim3A_188 : vector<16xf32>
        %add3A_307 = arith.addf %add3A_251, %mul3A_306 : vector<16xf32>
        %add3A_308 = arith.constant 1 : i32
        %add3A_309 = arith.addi %add3A_184, %add3A_308 : i32
        %get3A_310 = arith.index_cast %add3A_309 : i32 to index
        %get3A_311 = arith.constant 48 : index
        %get3A_312 = tpu.vector_load %arg5[%get3A_310, %get3A_311] {strides = array<i32>} : memref<512x128xf32, #tpu.memory_space<vmem>>, vector<16xf32>,
        %mul3A_313 = arith.mulf %get3A_312, %broadcast_in_dim3A_188 : vector<16xf32>
        %add3A_314 = arith.addf %add3A_258, %mul3A_313 : vector<16xf32>
        %add3A_315 = arith.constant 1 : i32
        %add3A_316 = arith.addi %add3A_184, %add3A_315 : i32
        %get3A_317 = arith.index_cast %add3A_316 : i32 to index
        %get3A_318 = arith.constant 64 : index
        %get3A_319 = tpu.vector_load %arg5[%get3A_317, %get3A_318] {strides = array<i32>} : memref<512x128xf32, #tpu.memory_space<vmem>>, vector<16xf32>,
        %mul3A_320 = arith.mulf %get3A_319, %broadcast_in_dim3A_188 : vector<16xf32>
        %add3A_321 = arith.addf %add3A_265, %mul3A_320 : vector<16xf32>
        %add3A_322 = arith.constant 1 : i32
        %add3A_323 = arith.addi %add3A_184, %add3A_322 : i32
        %get3A_324 = arith.index_cast %add3A_323 : i32 to index
        %get3A_325 = arith.constant 80 : index
        %get3A_326 = tpu.vector_load %arg5[%get3A_324, %get3A_325] {strides = array<i32>} : memref<512x128xf32, #tpu.memory_space<vmem>>, vector<16xf32>,
        %mul3A_327 = arith.mulf %get3A_326, %broadcast_in_dim3A_188 : vector<16xf32>
        %add3A_328 = arith.addf %add3A_272, %mul3A_327 : vector<16xf32>
        %add3A_329 = arith.constant 1 : i32
        %add3A_330 = arith.addi %add3A_184, %add3A_329 : i32
        %get3A_331 = arith.index_cast %add3A_330 : i32 to index
        %get3A_332 = arith.constant 96 : index
        %get3A_333 = tpu.vector_load %arg5[%get3A_331, %get3A_332] {strides = array<i32>} : memref<512x128xf32, #tpu.memory_space<vmem>>, vector<16xf32>,
        %mul3A_334 = arith.mulf %get3A_333, %broadcast_in_dim3A_188 : vector<16xf32>
        %add3A_335 = arith.addf %add3A_279, %mul3A_334 : vector<16xf32>
        %add3A_336 = arith.constant 1 : i32
        %add3A_337 = arith.addi %add3A_184, %add3A_336 : i32
        %get3A_338 = arith.index_cast %add3A_337 : i32 to index
        %get3A_339 = arith.constant 112 : index
        %get3A_340 = tpu.vector_load %arg5[%get3A_338, %get3A_339] {strides = array<i32>} : memref<512x128xf32, #tpu.memory_space<vmem>>, vector<16xf32>,
        %mul3A_341 = arith.mulf %get3A_340, %broadcast_in_dim3A_188 : vector<16xf32>
        %add3A_342 = arith.addf %add3A_286, %mul3A_341 : vector<16xf32>
        %add3A_343 = arith.constant 2 : i32
        %add3A_344 = arith.addi %add3A_184, %add3A_343 : i32
        %get3A_345 = arith.index_cast %add3A_344 : i32 to index
        %get3A_346 = arith.constant 0 : index
        %get3A_347 = tpu.vector_load %arg5[%get3A_345, %get3A_346] {strides = array<i32>} : memref<512x128xf32, #tpu.memory_space<vmem>>, vector<16xf32>,
        %mul3A_348 = arith.mulf %get3A_347, %broadcast_in_dim3A_191 : vector<16xf32>
        %add3A_349 = arith.addf %add3A_293, %mul3A_348 : vector<16xf32>
        %add3A_350 = arith.constant 2 : i32
        %add3A_351 = arith.addi %add3A_184, %add3A_350 : i32
        %get3A_352 = arith.index_cast %add3A_351 : i32 to index
        %get3A_353 = arith.constant 16 : index
        %get3A_354 = tpu.vector_load %arg5[%get3A_352, %get3A_353] {strides = array<i32>} : memref<512x128xf32, #tpu.memory_space<vmem>>, vector<16xf32>,
        %mul3A_355 = arith.mulf %get3A_354, %broadcast_in_dim3A_191 : vector<16xf32>
        %add3A_356 = arith.addf %add3A_300, %mul3A_355 : vector<16xf32>
        %add3A_357 = arith.constant 2 : i32
        %add3A_358 = arith.addi %add3A_184, %add3A_357 : i32
        %get3A_359 = arith.index_cast %add3A_358 : i32 to index
        %get3A_360 = arith.constant 32 : index
        %get3A_361 = tpu.vector_load %arg5[%get3A_359, %get3A_360] {strides = array<i32>} : memref<512x128xf32, #tpu.memory_space<vmem>>, vector<16xf32>,
        %mul3A_362 = arith.mulf %get3A_361, %broadcast_in_dim3A_191 : vector<16xf32>
        %add3A_363 = arith.addf %add3A_307, %mul3A_362 : vector<16xf32>
        %add3A_364 = arith.constant 2 : i32
        %add3A_365 = arith.addi %add3A_184, %add3A_364 : i32
        %get3A_366 = arith.index_cast %add3A_365 : i32 to index
        %get3A_367 = arith.constant 48 : index
        %get3A_368 = tpu.vector_load %arg5[%get3A_366, %get3A_367] {strides = array<i32>} : memref<512x128xf32, #tpu.memory_space<vmem>>, vector<16xf32>,
        %mul3A_369 = arith.mulf %get3A_368, %broadcast_in_dim3A_191 : vector<16xf32>
        %add3A_370 = arith.addf %add3A_314, %mul3A_369 : vector<16xf32>
        %add3A_371 = arith.constant 2 : i32
        %add3A_372 = arith.addi %add3A_184, %add3A_371 : i32
        %get3A_373 = arith.index_cast %add3A_372 : i32 to index
        %get3A_374 = arith.constant 64 : index
        %get3A_375 = tpu.vector_load %arg5[%get3A_373, %get3A_374] {strides = array<i32>} : memref<512x128xf32, #tpu.memory_space<vmem>>, vector<16xf32>,
        %mul3A_376 = arith.mulf %get3A_375, %broadcast_in_dim3A_191 : vector<16xf32>
        %add3A_377 = arith.addf %add3A_321, %mul3A_376 : vector<16xf32>
        %add3A_378 = arith.constant 2 : i32
        %add3A_379 = arith.addi %add3A_184, %add3A_378 : i32
        %get3A_380 = arith.index_cast %add3A_379 : i32 to index
        %get3A_381 = arith.constant 80 : index
        %get3A_382 = tpu.vector_load %arg5[%get3A_380, %get3A_381] {strides = array<i32>} : memref<512x128xf32, #tpu.memory_space<vmem>>, vector<16xf32>,
        %mul3A_383 = arith.mulf %get3A_382, %broadcast_in_dim3A_191 : vector<16xf32>
        %add3A_384 = arith.addf %add3A_328, %mul3A_383 : vector<16xf32>
        %add3A_385 = arith.constant 2 : i32
        %add3A_386 = arith.addi %add3A_184, %add3A_385 : i32
        %get3A_387 = arith.index_cast %add3A_386 : i32 to index
        %get3A_388 = arith.constant 96 : index
        %get3A_389 = tpu.vector_load %arg5[%get3A_387, %get3A_388] {strides = array<i32>} : memref<512x128xf32, #tpu.memory_space<vmem>>, vector<16xf32>,
        %mul3A_390 = arith.mulf %get3A_389, %broadcast_in_dim3A_191 : vector<16xf32>
        %add3A_391 = arith.addf %add3A_335, %mul3A_390 : vector<16xf32>
        %add3A_392 = arith.constant 2 : i32
        %add3A_393 = arith.addi %add3A_184, %add3A_392 : i32
        %get3A_394 = arith.index_cast %add3A_393 : i32 to index
        %get3A_395 = arith.constant 112 : index
        %get3A_396 = tpu.vector_load %arg5[%get3A_394, %get3A_395] {strides = array<i32>} : memref<512x128xf32, #tpu.memory_space<vmem>>, vector<16xf32>,
        %mul3A_397 = arith.mulf %get3A_396, %broadcast_in_dim3A_191 : vector<16xf32>
        %add3A_398 = arith.addf %add3A_342, %mul3A_397 : vector<16xf32>
        %add3A_399 = arith.constant 3 : i32
        %add3A_400 = arith.addi %add3A_184, %add3A_399 : i32
        %get3A_401 = arith.index_cast %add3A_400 : i32 to index
        %get3A_402 = arith.constant 0 : index
        %get3A_403 = tpu.vector_load %arg5[%get3A_401, %get3A_402] {strides = array<i32>} : memref<512x128xf32, #tpu.memory_space<vmem>>, vector<16xf32>,
        %mul3A_404 = arith.mulf %get3A_403, %broadcast_in_dim3A_194 : vector<16xf32>
        %add3A_405 = arith.addf %add3A_349, %mul3A_404 : vector<16xf32>
        %add3A_406 = arith.constant 3 : i32
        %add3A_407 = arith.addi %add3A_184, %add3A_406 : i32
        %get3A_408 = arith.index_cast %add3A_407 : i32 to index
        %get3A_409 = arith.constant 16 : index
        %get3A_410 = tpu.vector_load %arg5[%get3A_408, %get3A_409] {strides = array<i32>} : memref<512x128xf32, #tpu.memory_space<vmem>>, vector<16xf32>,
        %mul3A_411 = arith.mulf %get3A_410, %broadcast_in_dim3A_194 : vector<16xf32>
        %add3A_412 = arith.addf %add3A_356, %mul3A_411 : vector<16xf32>
        %add3A_413 = arith.constant 3 : i32
        %add3A_414 = arith.addi %add3A_184, %add3A_413 : i32
        %get3A_415 = arith.index_cast %add3A_414 : i32 to index
        %get3A_416 = arith.constant 32 : index
        %get3A_417 = tpu.vector_load %arg5[%get3A_415, %get3A_416] {strides = array<i32>} : memref<512x128xf32, #tpu.memory_space<vmem>>, vector<16xf32>,
        %mul3A_418 = arith.mulf %get3A_417, %broadcast_in_dim3A_194 : vector<16xf32>
        %add3A_419 = arith.addf %add3A_363, %mul3A_418 : vector<16xf32>
        %add3A_420 = arith.constant 3 : i32
        %add3A_421 = arith.addi %add3A_184, %add3A_420 : i32
        %get3A_422 = arith.index_cast %add3A_421 : i32 to index
        %get3A_423 = arith.constant 48 : index
        %get3A_424 = tpu.vector_load %arg5[%get3A_422, %get3A_423] {strides = array<i32>} : memref<512x128xf32, #tpu.memory_space<vmem>>, vector<16xf32>,
        %mul3A_425 = arith.mulf %get3A_424, %broadcast_in_dim3A_194 : vector<16xf32>
        %add3A_426 = arith.addf %add3A_370, %mul3A_425 : vector<16xf32>
        %add3A_427 = arith.constant 3 : i32
        %add3A_428 = arith.addi %add3A_184, %add3A_427 : i32
        %get3A_429 = arith.index_cast %add3A_428 : i32 to index
        %get3A_430 = arith.constant 64 : index
        %get3A_431 = tpu.vector_load %arg5[%get3A_429, %get3A_430] {strides = array<i32>} : memref<512x128xf32, #tpu.memory_space<vmem>>, vector<16xf32>,
        %mul3A_432 = arith.mulf %get3A_431, %broadcast_in_dim3A_194 : vector<16xf32>
        %add3A_433 = arith.addf %add3A_377, %mul3A_432 : vector<16xf32>
        %add3A_434 = arith.constant 3 : i32
        %add3A_435 = arith.addi %add3A_184, %add3A_434 : i32
        %get3A_436 = arith.index_cast %add3A_435 : i32 to index
        %get3A_437 = arith.constant 80 : index
        %get3A_438 = tpu.vector_load %arg5[%get3A_436, %get3A_437] {strides = array<i32>} : memref<512x128xf32, #tpu.memory_space<vmem>>, vector<16xf32>,
        %mul3A_439 = arith.mulf %get3A_438, %broadcast_in_dim3A_194 : vector<16xf32>
        %add3A_440 = arith.addf %add3A_384, %mul3A_439 : vector<16xf32>
        %add3A_441 = arith.constant 3 : i32
        %add3A_442 = arith.addi %add3A_184, %add3A_441 : i32
        %get3A_443 = arith.index_cast %add3A_442 : i32 to index
        %get3A_444 = arith.constant 96 : index
        %get3A_445 = tpu.vector_load %arg5[%get3A_443, %get3A_444] {strides = array<i32>} : memref<512x128xf32, #tpu.memory_space<vmem>>, vector<16xf32>,
        %mul3A_446 = arith.mulf %get3A_445, %broadcast_in_dim3A_194 : vector<16xf32>
        %add3A_447 = arith.addf %add3A_391, %mul3A_446 : vector<16xf32>
        %add3A_448 = arith.constant 3 : i32
        %add3A_449 = arith.addi %add3A_184, %add3A_448 : i32
        %get3A_450 = arith.index_cast %add3A_449 : i32 to index
        %get3A_451 = arith.constant 112 : index
        %get3A_452 = tpu.vector_load %arg5[%get3A_450, %get3A_451] {strides = array<i32>} : memref<512x128xf32, #tpu.memory_space<vmem>>, vector<16xf32>,
        %mul3A_453 = arith.mulf %get3A_452, %broadcast_in_dim3A_194 : vector<16xf32>
        %add3A_454 = arith.addf %add3A_398, %mul3A_453 : vector<16xf32>
        %add3A_455 = arith.constant 4 : i32
        %add3A_456 = arith.addi %add3A_184, %add3A_455 : i32
        %get3A_457 = arith.index_cast %add3A_456 : i32 to index
        %get3A_458 = arith.constant 0 : index
        %get3A_459 = tpu.vector_load %arg5[%get3A_457, %get3A_458] {strides = array<i32>} : memref<512x128xf32, #tpu.memory_space<vmem>>, vector<16xf32>,
        %mul3A_460 = arith.mulf %get3A_459, %broadcast_in_dim3A_197 : vector<16xf32>
        %add3A_461 = arith.addf %add3A_405, %mul3A_460 : vector<16xf32>
        %add3A_462 = arith.constant 4 : i32
        %add3A_463 = arith.addi %add3A_184, %add3A_462 : i32
        %get3A_464 = arith.index_cast %add3A_463 : i32 to index
        %get3A_465 = arith.constant 16 : index
        %get3A_466 = tpu.vector_load %arg5[%get3A_464, %get3A_465] {strides = array<i32>} : memref<512x128xf32, #tpu.memory_space<vmem>>, vector<16xf32>,
        %mul3A_467 = arith.mulf %get3A_466, %broadcast_in_dim3A_197 : vector<16xf32>
        %add3A_468 = arith.addf %add3A_412, %mul3A_467 : vector<16xf32>
        %add3A_469 = arith.constant 4 : i32
        %add3A_470 = arith.addi %add3A_184, %add3A_469 : i32
        %get3A_471 = arith.index_cast %add3A_470 : i32 to index
        %get3A_472 = arith.constant 32 : index
        %get3A_473 = tpu.vector_load %arg5[%get3A_471, %get3A_472] {strides = array<i32>} : memref<512x128xf32, #tpu.memory_space<vmem>>, vector<16xf32>,
        %mul3A_474 = arith.mulf %get3A_473, %broadcast_in_dim3A_197 : vector<16xf32>
        %add3A_475 = arith.addf %add3A_419, %mul3A_474 : vector<16xf32>
        %add3A_476 = arith.constant 4 : i32
        %add3A_477 = arith.addi %add3A_184, %add3A_476 : i32
        %get3A_478 = arith.index_cast %add3A_477 : i32 to index
        %get3A_479 = arith.constant 48 : index
        %get3A_480 = tpu.vector_load %arg5[%get3A_478, %get3A_479] {strides = array<i32>} : memref<512x128xf32, #tpu.memory_space<vmem>>, vector<16xf32>,
        %mul3A_481 = arith.mulf %get3A_480, %broadcast_in_dim3A_197 : vector<16xf32>
        %add3A_482 = arith.addf %add3A_426, %mul3A_481 : vector<16xf32>
        %add3A_483 = arith.constant 4 : i32
        %add3A_484 = arith.addi %add3A_184, %add3A_483 : i32
        %get3A_485 = arith.index_cast %add3A_484 : i32 to index
        %get3A_486 = arith.constant 64 : index
        %get3A_487 = tpu.vector_load %arg5[%get3A_485, %get3A_486] {strides = array<i32>} : memref<512x128xf32, #tpu.memory_space<vmem>>, vector<16xf32>,
        %mul3A_488 = arith.mulf %get3A_487, %broadcast_in_dim3A_197 : vector<16xf32>
        %add3A_489 = arith.addf %add3A_433, %mul3A_488 : vector<16xf32>
        %add3A_490 = arith.constant 4 : i32
        %add3A_491 = arith.addi %add3A_184, %add3A_490 : i32
        %get3A_492 = arith.index_cast %add3A_491 : i32 to index
        %get3A_493 = arith.constant 80 : index
        %get3A_494 = tpu.vector_load %arg5[%get3A_492, %get3A_493] {strides = array<i32>} : memref<512x128xf32, #tpu.memory_space<vmem>>, vector<16xf32>,
        %mul3A_495 = arith.mulf %get3A_494, %broadcast_in_dim3A_197 : vector<16xf32>
        %add3A_496 = arith.addf %add3A_440, %mul3A_495 : vector<16xf32>
        %add3A_497 = arith.constant 4 : i32
        %add3A_498 = arith.addi %add3A_184, %add3A_497 : i32
        %get3A_499 = arith.index_cast %add3A_498 : i32 to index
        %get3A_500 = arith.constant 96 : index
        %get3A_501 = tpu.vector_load %arg5[%get3A_499, %get3A_500] {strides = array<i32>} : memref<512x128xf32, #tpu.memory_space<vmem>>, vector<16xf32>,
        %mul3A_502 = arith.mulf %get3A_501, %broadcast_in_dim3A_197 : vector<16xf32>
        %add3A_503 = arith.addf %add3A_447, %mul3A_502 : vector<16xf32>
        %add3A_504 = arith.constant 4 : i32
        %add3A_505 = arith.addi %add3A_184, %add3A_504 : i32
        %get3A_506 = arith.index_cast %add3A_505 : i32 to index
        %get3A_507 = arith.constant 112 : index
        %get3A_508 = tpu.vector_load %arg5[%get3A_506, %get3A_507] {strides = array<i32>} : memref<512x128xf32, #tpu.memory_space<vmem>>, vector<16xf32>,
        %mul3A_509 = arith.mulf %get3A_508, %broadcast_in_dim3A_197 : vector<16xf32>
        %add3A_510 = arith.addf %add3A_454, %mul3A_509 : vector<16xf32>
        %add3A_511 = arith.constant 5 : i32
        %add3A_512 = arith.addi %add3A_184, %add3A_511 : i32
        %get3A_513 = arith.index_cast %add3A_512 : i32 to index
        %get3A_514 = arith.constant 0 : index
        %get3A_515 = tpu.vector_load %arg5[%get3A_513, %get3A_514] {strides = array<i32>} : memref<512x128xf32, #tpu.memory_space<vmem>>, vector<16xf32>,
        %mul3A_516 = arith.mulf %get3A_515, %broadcast_in_dim3A_200 : vector<16xf32>
        %add3A_517 = arith.addf %add3A_461, %mul3A_516 : vector<16xf32>
        %add3A_518 = arith.constant 5 : i32
        %add3A_519 = arith.addi %add3A_184, %add3A_518 : i32
        %get3A_520 = arith.index_cast %add3A_519 : i32 to index
        %get3A_521 = arith.constant 16 : index
        %get3A_522 = tpu.vector_load %arg5[%get3A_520, %get3A_521] {strides = array<i32>} : memref<512x128xf32, #tpu.memory_space<vmem>>, vector<16xf32>,
        %mul3A_523 = arith.mulf %get3A_522, %broadcast_in_dim3A_200 : vector<16xf32>
        %add3A_524 = arith.addf %add3A_468, %mul3A_523 : vector<16xf32>
        %add3A_525 = arith.constant 5 : i32
        %add3A_526 = arith.addi %add3A_184, %add3A_525 : i32
        %get3A_527 = arith.index_cast %add3A_526 : i32 to index
        %get3A_528 = arith.constant 32 : index
        %get3A_529 = tpu.vector_load %arg5[%get3A_527, %get3A_528] {strides = array<i32>} : memref<512x128xf32, #tpu.memory_space<vmem>>, vector<16xf32>,
        %mul3A_530 = arith.mulf %get3A_529, %broadcast_in_dim3A_200 : vector<16xf32>
        %add3A_531 = arith.addf %add3A_475, %mul3A_530 : vector<16xf32>
        %add3A_532 = arith.constant 5 : i32
        %add3A_533 = arith.addi %add3A_184, %add3A_532 : i32
        %get3A_534 = arith.index_cast %add3A_533 : i32 to index
        %get3A_535 = arith.constant 48 : index
        %get3A_536 = tpu.vector_load %arg5[%get3A_534, %get3A_535] {strides = array<i32>} : memref<512x128xf32, #tpu.memory_space<vmem>>, vector<16xf32>,
        %mul3A_537 = arith.mulf %get3A_536, %broadcast_in_dim3A_200 : vector<16xf32>
        %add3A_538 = arith.addf %add3A_482, %mul3A_537 : vector<16xf32>
        %add3A_539 = arith.constant 5 : i32
        %add3A_540 = arith.addi %add3A_184, %add3A_539 : i32
        %get3A_541 = arith.index_cast %add3A_540 : i32 to index
        %get3A_542 = arith.constant 64 : index
        %get3A_543 = tpu.vector_load %arg5[%get3A_541, %get3A_542] {strides = array<i32>} : memref<512x128xf32, #tpu.memory_space<vmem>>, vector<16xf32>,
        %mul3A_544 = arith.mulf %get3A_543, %broadcast_in_dim3A_200 : vector<16xf32>
        %add3A_545 = arith.addf %add3A_489, %mul3A_544 : vector<16xf32>
        %add3A_546 = arith.constant 5 : i32
        %add3A_547 = arith.addi %add3A_184, %add3A_546 : i32
        %get3A_548 = arith.index_cast %add3A_547 : i32 to index
        %get3A_549 = arith.constant 80 : index
        %get3A_550 = tpu.vector_load %arg5[%get3A_548, %get3A_549] {strides = array<i32>} : memref<512x128xf32, #tpu.memory_space<vmem>>, vector<16xf32>,
        %mul3A_551 = arith.mulf %get3A_550, %broadcast_in_dim3A_200 : vector<16xf32>
        %add3A_552 = arith.addf %add3A_496, %mul3A_551 : vector<16xf32>
        %add3A_553 = arith.constant 5 : i32
        %add3A_554 = arith.addi %add3A_184, %add3A_553 : i32
        %get3A_555 = arith.index_cast %add3A_554 : i32 to index
        %get3A_556 = arith.constant 96 : index
        %get3A_557 = tpu.vector_load %arg5[%get3A_555, %get3A_556] {strides = array<i32>} : memref<512x128xf32, #tpu.memory_space<vmem>>, vector<16xf32>,
        %mul3A_558 = arith.mulf %get3A_557, %broadcast_in_dim3A_200 : vector<16xf32>
        %add3A_559 = arith.addf %add3A_503, %mul3A_558 : vector<16xf32>
        %add3A_560 = arith.constant 5 : i32
        %add3A_561 = arith.addi %add3A_184, %add3A_560 : i32
        %get3A_562 = arith.index_cast %add3A_561 : i32 to index
        %get3A_563 = arith.constant 112 : index
        %get3A_564 = tpu.vector_load %arg5[%get3A_562, %get3A_563] {strides = array<i32>} : memref<512x128xf32, #tpu.memory_space<vmem>>, vector<16xf32>,
        %mul3A_565 = arith.mulf %get3A_564, %broadcast_in_dim3A_200 : vector<16xf32>
        %add3A_566 = arith.addf %add3A_510, %mul3A_565 : vector<16xf32>
        %add3A_567 = arith.constant 6 : i32
        %add3A_568 = arith.addi %add3A_184, %add3A_567 : i32
        %get3A_569 = arith.index_cast %add3A_568 : i32 to index
        %get3A_570 = arith.constant 0 : index
        %get3A_571 = tpu.vector_load %arg5[%get3A_569, %get3A_570] {strides = array<i32>} : memref<512x128xf32, #tpu.memory_space<vmem>>, vector<16xf32>,
        %mul3A_572 = arith.mulf %get3A_571, %broadcast_in_dim3A_203 : vector<16xf32>
        %add3A_573 = arith.addf %add3A_517, %mul3A_572 : vector<16xf32>
        %add3A_574 = arith.constant 6 : i32
        %add3A_575 = arith.addi %add3A_184, %add3A_574 : i32
        %get3A_576 = arith.index_cast %add3A_575 : i32 to index
        %get3A_577 = arith.constant 16 : index
        %get3A_578 = tpu.vector_load %arg5[%get3A_576, %get3A_577] {strides = array<i32>} : memref<512x128xf32, #tpu.memory_space<vmem>>, vector<16xf32>,
        %mul3A_579 = arith.mulf %get3A_578, %broadcast_in_dim3A_203 : vector<16xf32>
        %add3A_580 = arith.addf %add3A_524, %mul3A_579 : vector<16xf32>
        %add3A_581 = arith.constant 6 : i32
        %add3A_582 = arith.addi %add3A_184, %add3A_581 : i32
        %get3A_583 = arith.index_cast %add3A_582 : i32 to index
        %get3A_584 = arith.constant 32 : index
        %get3A_585 = tpu.vector_load %arg5[%get3A_583, %get3A_584] {strides = array<i32>} : memref<512x128xf32, #tpu.memory_space<vmem>>, vector<16xf32>,
        %mul3A_586 = arith.mulf %get3A_585, %broadcast_in_dim3A_203 : vector<16xf32>
        %add3A_587 = arith.addf %add3A_531, %mul3A_586 : vector<16xf32>
        %add3A_588 = arith.constant 6 : i32
        %add3A_589 = arith.addi %add3A_184, %add3A_588 : i32
        %get3A_590 = arith.index_cast %add3A_589 : i32 to index
        %get3A_591 = arith.constant 48 : index
        %get3A_592 = tpu.vector_load %arg5[%get3A_590, %get3A_591] {strides = array<i32>} : memref<512x128xf32, #tpu.memory_space<vmem>>, vector<16xf32>,
        %mul3A_593 = arith.mulf %get3A_592, %broadcast_in_dim3A_203 : vector<16xf32>
        %add3A_594 = arith.addf %add3A_538, %mul3A_593 : vector<16xf32>
        %add3A_595 = arith.constant 6 : i32
        %add3A_596 = arith.addi %add3A_184, %add3A_595 : i32
        %get3A_597 = arith.index_cast %add3A_596 : i32 to index
        %get3A_598 = arith.constant 64 : index
        %get3A_599 = tpu.vector_load %arg5[%get3A_597, %get3A_598] {strides = array<i32>} : memref<512x128xf32, #tpu.memory_space<vmem>>, vector<16xf32>,
        %mul3A_600 = arith.mulf %get3A_599, %broadcast_in_dim3A_203 : vector<16xf32>
        %add3A_601 = arith.addf %add3A_545, %mul3A_600 : vector<16xf32>
        %add3A_602 = arith.constant 6 : i32
        %add3A_603 = arith.addi %add3A_184, %add3A_602 : i32
        %get3A_604 = arith.index_cast %add3A_603 : i32 to index
        %get3A_605 = arith.constant 80 : index
        %get3A_606 = tpu.vector_load %arg5[%get3A_604, %get3A_605] {strides = array<i32>} : memref<512x128xf32, #tpu.memory_space<vmem>>, vector<16xf32>,
        %mul3A_607 = arith.mulf %get3A_606, %broadcast_in_dim3A_203 : vector<16xf32>
        %add3A_608 = arith.addf %add3A_552, %mul3A_607 : vector<16xf32>
        %add3A_609 = arith.constant 6 : i32
        %add3A_610 = arith.addi %add3A_184, %add3A_609 : i32
        %get3A_611 = arith.index_cast %add3A_610 : i32 to index
        %get3A_612 = arith.constant 96 : index
        %get3A_613 = tpu.vector_load %arg5[%get3A_611, %get3A_612] {strides = array<i32>} : memref<512x128xf32, #tpu.memory_space<vmem>>, vector<16xf32>,
        %mul3A_614 = arith.mulf %get3A_613, %broadcast_in_dim3A_203 : vector<16xf32>
        %add3A_615 = arith.addf %add3A_559, %mul3A_614 : vector<16xf32>
        %add3A_616 = arith.constant 6 : i32
        %add3A_617 = arith.addi %add3A_184, %add3A_616 : i32
        %get3A_618 = arith.index_cast %add3A_617 : i32 to index
        %get3A_619 = arith.constant 112 : index
        %get3A_620 = tpu.vector_load %arg5[%get3A_618, %get3A_619] {strides = array<i32>} : memref<512x128xf32, #tpu.memory_space<vmem>>, vector<16xf32>,
        %mul3A_621 = arith.mulf %get3A_620, %broadcast_in_dim3A_203 : vector<16xf32>
        %add3A_622 = arith.addf %add3A_566, %mul3A_621 : vector<16xf32>
        %add3A_623 = arith.constant 7 : i32
        %add3A_624 = arith.addi %add3A_184, %add3A_623 : i32
        %get3A_625 = arith.index_cast %add3A_624 : i32 to index
        %get3A_626 = arith.constant 0 : index
        %get3A_627 = tpu.vector_load %arg5[%get3A_625, %get3A_626] {strides = array<i32>} : memref<512x128xf32, #tpu.memory_space<vmem>>, vector<16xf32>,
        %mul3A_628 = arith.mulf %get3A_627, %broadcast_in_dim3A_206 : vector<16xf32>
        %add3A_629 = arith.addf %add3A_573, %mul3A_628 : vector<16xf32>
        %add3A_630 = arith.constant 7 : i32
        %add3A_631 = arith.addi %add3A_184, %add3A_630 : i32
        %get3A_632 = arith.index_cast %add3A_631 : i32 to index
        %get3A_633 = arith.constant 16 : index
        %get3A_634 = tpu.vector_load %arg5[%get3A_632, %get3A_633] {strides = array<i32>} : memref<512x128xf32, #tpu.memory_space<vmem>>, vector<16xf32>,
        %mul3A_635 = arith.mulf %get3A_634, %broadcast_in_dim3A_206 : vector<16xf32>
        %add3A_636 = arith.addf %add3A_580, %mul3A_635 : vector<16xf32>
        %add3A_637 = arith.constant 7 : i32
        %add3A_638 = arith.addi %add3A_184, %add3A_637 : i32
        %get3A_639 = arith.index_cast %add3A_638 : i32 to index
        %get3A_640 = arith.constant 32 : index
        %get3A_641 = tpu.vector_load %arg5[%get3A_639, %get3A_640] {strides = array<i32>} : memref<512x128xf32, #tpu.memory_space<vmem>>, vector<16xf32>,
        %mul3A_642 = arith.mulf %get3A_641, %broadcast_in_dim3A_206 : vector<16xf32>
        %add3A_643 = arith.addf %add3A_587, %mul3A_642 : vector<16xf32>
        %add3A_644 = arith.constant 7 : i32
        %add3A_645 = arith.addi %add3A_184, %add3A_644 : i32
        %get3A_646 = arith.index_cast %add3A_645 : i32 to index
        %get3A_647 = arith.constant 48 : index
        %get3A_648 = tpu.vector_load %arg5[%get3A_646, %get3A_647] {strides = array<i32>} : memref<512x128xf32, #tpu.memory_space<vmem>>, vector<16xf32>,
        %mul3A_649 = arith.mulf %get3A_648, %broadcast_in_dim3A_206 : vector<16xf32>
        %add3A_650 = arith.addf %add3A_594, %mul3A_649 : vector<16xf32>
        %add3A_651 = arith.constant 7 : i32
        %add3A_652 = arith.addi %add3A_184, %add3A_651 : i32
        %get3A_653 = arith.index_cast %add3A_652 : i32 to index
        %get3A_654 = arith.constant 64 : index
        %get3A_655 = tpu.vector_load %arg5[%get3A_653, %get3A_654] {strides = array<i32>} : memref<512x128xf32, #tpu.memory_space<vmem>>, vector<16xf32>,
        %mul3A_656 = arith.mulf %get3A_655, %broadcast_in_dim3A_206 : vector<16xf32>
        %add3A_657 = arith.addf %add3A_601, %mul3A_656 : vector<16xf32>
        %add3A_658 = arith.constant 7 : i32
        %add3A_659 = arith.addi %add3A_184, %add3A_658 : i32
        %get3A_660 = arith.index_cast %add3A_659 : i32 to index
        %get3A_661 = arith.constant 80 : index
        %get3A_662 = tpu.vector_load %arg5[%get3A_660, %get3A_661] {strides = array<i32>} : memref<512x128xf32, #tpu.memory_space<vmem>>, vector<16xf32>,
        %mul3A_663 = arith.mulf %get3A_662, %broadcast_in_dim3A_206 : vector<16xf32>
        %add3A_664 = arith.addf %add3A_608, %mul3A_663 : vector<16xf32>
        %add3A_665 = arith.constant 7 : i32
        %add3A_666 = arith.addi %add3A_184, %add3A_665 : i32
        %get3A_667 = arith.index_cast %add3A_666 : i32 to index
        %get3A_668 = arith.constant 96 : index
        %get3A_669 = tpu.vector_load %arg5[%get3A_667, %get3A_668] {strides = array<i32>} : memref<512x128xf32, #tpu.memory_space<vmem>>, vector<16xf32>,
        %mul3A_670 = arith.mulf %get3A_669, %broadcast_in_dim3A_206 : vector<16xf32>
        %add3A_671 = arith.addf %add3A_615, %mul3A_670 : vector<16xf32>
        %add3A_672 = arith.constant 7 : i32
        %add3A_673 = arith.addi %add3A_184, %add3A_672 : i32
        %get3A_674 = arith.index_cast %add3A_673 : i32 to index
        %get3A_675 = arith.constant 112 : index
        %get3A_676 = tpu.vector_load %arg5[%get3A_674, %get3A_675] {strides = array<i32>} : memref<512x128xf32, #tpu.memory_space<vmem>>, vector<16xf32>,
        %mul3A_677 = arith.mulf %get3A_676, %broadcast_in_dim3A_206 : vector<16xf32>
        %add3A_678 = arith.addf %add3A_622, %mul3A_677 : vector<16xf32>
        %add3A_679 = arith.constant 8 : i32
        %add3A_680 = arith.addi %add3A_184, %add3A_679 : i32
        %get3A_681 = arith.index_cast %add3A_680 : i32 to index
        %get3A_682 = arith.constant 0 : index
        %get3A_683 = tpu.vector_load %arg5[%get3A_681, %get3A_682] {strides = array<i32>} : memref<512x128xf32, #tpu.memory_space<vmem>>, vector<16xf32>,
        %mul3A_684 = arith.mulf %get3A_683, %broadcast_in_dim3A_209 : vector<16xf32>
        %add3A_685 = arith.addf %add3A_629, %mul3A_684 : vector<16xf32>
        %add3A_686 = arith.constant 8 : i32
        %add3A_687 = arith.addi %add3A_184, %add3A_686 : i32
        %get3A_688 = arith.index_cast %add3A_687 : i32 to index
        %get3A_689 = arith.constant 16 : index
        %get3A_690 = tpu.vector_load %arg5[%get3A_688, %get3A_689] {strides = array<i32>} : memref<512x128xf32, #tpu.memory_space<vmem>>, vector<16xf32>,
        %mul3A_691 = arith.mulf %get3A_690, %broadcast_in_dim3A_209 : vector<16xf32>
        %add3A_692 = arith.addf %add3A_636, %mul3A_691 : vector<16xf32>
        %add3A_693 = arith.constant 8 : i32
        %add3A_694 = arith.addi %add3A_184, %add3A_693 : i32
        %get3A_695 = arith.index_cast %add3A_694 : i32 to index
        %get3A_696 = arith.constant 32 : index
        %get3A_697 = tpu.vector_load %arg5[%get3A_695, %get3A_696] {strides = array<i32>} : memref<512x128xf32, #tpu.memory_space<vmem>>, vector<16xf32>,
        %mul3A_698 = arith.mulf %get3A_697, %broadcast_in_dim3A_209 : vector<16xf32>
        %add3A_699 = arith.addf %add3A_643, %mul3A_698 : vector<16xf32>
        %add3A_700 = arith.constant 8 : i32
        %add3A_701 = arith.addi %add3A_184, %add3A_700 : i32
        %get3A_702 = arith.index_cast %add3A_701 : i32 to index
        %get3A_703 = arith.constant 48 : index
        %get3A_704 = tpu.vector_load %arg5[%get3A_702, %get3A_703] {strides = array<i32>} : memref<512x128xf32, #tpu.memory_space<vmem>>, vector<16xf32>,
        %mul3A_705 = arith.mulf %get3A_704, %broadcast_in_dim3A_209 : vector<16xf32>
        %add3A_706 = arith.addf %add3A_650, %mul3A_705 : vector<16xf32>
        %add3A_707 = arith.constant 8 : i32
        %add3A_708 = arith.addi %add3A_184, %add3A_707 : i32
        %get3A_709 = arith.index_cast %add3A_708 : i32 to index
        %get3A_710 = arith.constant 64 : index
        %get3A_711 = tpu.vector_load %arg5[%get3A_709, %get3A_710] {strides = array<i32>} : memref<512x128xf32, #tpu.memory_space<vmem>>, vector<16xf32>,
        %mul3A_712 = arith.mulf %get3A_711, %broadcast_in_dim3A_209 : vector<16xf32>
        %add3A_713 = arith.addf %add3A_657, %mul3A_712 : vector<16xf32>
        %add3A_714 = arith.constant 8 : i32
        %add3A_715 = arith.addi %add3A_184, %add3A_714 : i32
        %get3A_716 = arith.index_cast %add3A_715 : i32 to index
        %get3A_717 = arith.constant 80 : index
        %get3A_718 = tpu.vector_load %arg5[%get3A_716, %get3A_717] {strides = array<i32>} : memref<512x128xf32, #tpu.memory_space<vmem>>, vector<16xf32>,
        %mul3A_719 = arith.mulf %get3A_718, %broadcast_in_dim3A_209 : vector<16xf32>
        %add3A_720 = arith.addf %add3A_664, %mul3A_719 : vector<16xf32>
        %add3A_721 = arith.constant 8 : i32
        %add3A_722 = arith.addi %add3A_184, %add3A_721 : i32
        %get3A_723 = arith.index_cast %add3A_722 : i32 to index
        %get3A_724 = arith.constant 96 : index
        %get3A_725 = tpu.vector_load %arg5[%get3A_723, %get3A_724] {strides = array<i32>} : memref<512x128xf32, #tpu.memory_space<vmem>>, vector<16xf32>,
        %mul3A_726 = arith.mulf %get3A_725, %broadcast_in_dim3A_209 : vector<16xf32>
        %add3A_727 = arith.addf %add3A_671, %mul3A_726 : vector<16xf32>
        %add3A_728 = arith.constant 8 : i32
        %add3A_729 = arith.addi %add3A_184, %add3A_728 : i32
        %get3A_730 = arith.index_cast %add3A_729 : i32 to index
        %get3A_731 = arith.constant 112 : index
        %get3A_732 = tpu.vector_load %arg5[%get3A_730, %get3A_731] {strides = array<i32>} : memref<512x128xf32, #tpu.memory_space<vmem>>, vector<16xf32>,
        %mul3A_733 = arith.mulf %get3A_732, %broadcast_in_dim3A_209 : vector<16xf32>
        %add3A_734 = arith.addf %add3A_678, %mul3A_733 : vector<16xf32>
        %add3A_735 = arith.constant 9 : i32
        %add3A_736 = arith.addi %add3A_184, %add3A_735 : i32
        %get3A_737 = arith.index_cast %add3A_736 : i32 to index
        %get3A_738 = arith.constant 0 : index
        %get3A_739 = tpu.vector_load %arg5[%get3A_737, %get3A_738] {strides = array<i32>} : memref<512x128xf32, #tpu.memory_space<vmem>>, vector<16xf32>,
        %mul3A_740 = arith.mulf %get3A_739, %broadcast_in_dim3A_212 : vector<16xf32>
        %add3A_741 = arith.addf %add3A_685, %mul3A_740 : vector<16xf32>
        %add3A_742 = arith.constant 9 : i32
        %add3A_743 = arith.addi %add3A_184, %add3A_742 : i32
        %get3A_744 = arith.index_cast %add3A_743 : i32 to index
        %get3A_745 = arith.constant 16 : index
        %get3A_746 = tpu.vector_load %arg5[%get3A_744, %get3A_745] {strides = array<i32>} : memref<512x128xf32, #tpu.memory_space<vmem>>, vector<16xf32>,
        %mul3A_747 = arith.mulf %get3A_746, %broadcast_in_dim3A_212 : vector<16xf32>
        %add3A_748 = arith.addf %add3A_692, %mul3A_747 : vector<16xf32>
        %add3A_749 = arith.constant 9 : i32
        %add3A_750 = arith.addi %add3A_184, %add3A_749 : i32
        %get3A_751 = arith.index_cast %add3A_750 : i32 to index
        %get3A_752 = arith.constant 32 : index
        %get3A_753 = tpu.vector_load %arg5[%get3A_751, %get3A_752] {strides = array<i32>} : memref<512x128xf32, #tpu.memory_space<vmem>>, vector<16xf32>,
        %mul3A_754 = arith.mulf %get3A_753, %broadcast_in_dim3A_212 : vector<16xf32>
        %add3A_755 = arith.addf %add3A_699, %mul3A_754 : vector<16xf32>
        %add3A_756 = arith.constant 9 : i32
        %add3A_757 = arith.addi %add3A_184, %add3A_756 : i32
        %get3A_758 = arith.index_cast %add3A_757 : i32 to index
        %get3A_759 = arith.constant 48 : index
        %get3A_760 = tpu.vector_load %arg5[%get3A_758, %get3A_759] {strides = array<i32>} : memref<512x128xf32, #tpu.memory_space<vmem>>, vector<16xf32>,
        %mul3A_761 = arith.mulf %get3A_760, %broadcast_in_dim3A_212 : vector<16xf32>
        %add3A_762 = arith.addf %add3A_706, %mul3A_761 : vector<16xf32>
        %add3A_763 = arith.constant 9 : i32
        %add3A_764 = arith.addi %add3A_184, %add3A_763 : i32
        %get3A_765 = arith.index_cast %add3A_764 : i32 to index
        %get3A_766 = arith.constant 64 : index
        %get3A_767 = tpu.vector_load %arg5[%get3A_765, %get3A_766] {strides = array<i32>} : memref<512x128xf32, #tpu.memory_space<vmem>>, vector<16xf32>,
        %mul3A_768 = arith.mulf %get3A_767, %broadcast_in_dim3A_212 : vector<16xf32>
        %add3A_769 = arith.addf %add3A_713, %mul3A_768 : vector<16xf32>
        %add3A_770 = arith.constant 9 : i32
        %add3A_771 = arith.addi %add3A_184, %add3A_770 : i32
        %get3A_772 = arith.index_cast %add3A_771 : i32 to index
        %get3A_773 = arith.constant 80 : index
        %get3A_774 = tpu.vector_load %arg5[%get3A_772, %get3A_773] {strides = array<i32>} : memref<512x128xf32, #tpu.memory_space<vmem>>, vector<16xf32>,
        %mul3A_775 = arith.mulf %get3A_774, %broadcast_in_dim3A_212 : vector<16xf32>
        %add3A_776 = arith.addf %add3A_720, %mul3A_775 : vector<16xf32>
        %add3A_777 = arith.constant 9 : i32
        %add3A_778 = arith.addi %add3A_184, %add3A_777 : i32
        %get3A_779 = arith.index_cast %add3A_778 : i32 to index
        %get3A_780 = arith.constant 96 : index
        %get3A_781 = tpu.vector_load %arg5[%get3A_779, %get3A_780] {strides = array<i32>} : memref<512x128xf32, #tpu.memory_space<vmem>>, vector<16xf32>,
        %mul3A_782 = arith.mulf %get3A_781, %broadcast_in_dim3A_212 : vector<16xf32>
        %add3A_783 = arith.addf %add3A_727, %mul3A_782 : vector<16xf32>
        %add3A_784 = arith.constant 9 : i32
        %add3A_785 = arith.addi %add3A_184, %add3A_784 : i32
        %get3A_786 = arith.index_cast %add3A_785 : i32 to index
        %get3A_787 = arith.constant 112 : index
        %get3A_788 = tpu.vector_load %arg5[%get3A_786, %get3A_787] {strides = array<i32>} : memref<512x128xf32, #tpu.memory_space<vmem>>, vector<16xf32>,
        %mul3A_789 = arith.mulf %get3A_788, %broadcast_in_dim3A_212 : vector<16xf32>
        %add3A_790 = arith.addf %add3A_734, %mul3A_789 : vector<16xf32>
        %add3A_791 = arith.constant 10 : i32
        %add3A_792 = arith.addi %add3A_184, %add3A_791 : i32
        %get3A_793 = arith.index_cast %add3A_792 : i32 to index
        %get3A_794 = arith.constant 0 : index
        %get3A_795 = tpu.vector_load %arg5[%get3A_793, %get3A_794] {strides = array<i32>} : memref<512x128xf32, #tpu.memory_space<vmem>>, vector<16xf32>,
        %mul3A_796 = arith.mulf %get3A_795, %broadcast_in_dim3A_215 : vector<16xf32>
        %add3A_797 = arith.addf %add3A_741, %mul3A_796 : vector<16xf32>
        %add3A_798 = arith.constant 10 : i32
        %add3A_799 = arith.addi %add3A_184, %add3A_798 : i32
        %get3A_800 = arith.index_cast %add3A_799 : i32 to index
        %get3A_801 = arith.constant 16 : index
        %get3A_802 = tpu.vector_load %arg5[%get3A_800, %get3A_801] {strides = array<i32>} : memref<512x128xf32, #tpu.memory_space<vmem>>, vector<16xf32>,
        %mul3A_803 = arith.mulf %get3A_802, %broadcast_in_dim3A_215 : vector<16xf32>
        %add3A_804 = arith.addf %add3A_748, %mul3A_803 : vector<16xf32>
        %add3A_805 = arith.constant 10 : i32
        %add3A_806 = arith.addi %add3A_184, %add3A_805 : i32
        %get3A_807 = arith.index_cast %add3A_806 : i32 to index
        %get3A_808 = arith.constant 32 : index
        %get3A_809 = tpu.vector_load %arg5[%get3A_807, %get3A_808] {strides = array<i32>} : memref<512x128xf32, #tpu.memory_space<vmem>>, vector<16xf32>,
        %mul3A_810 = arith.mulf %get3A_809, %broadcast_in_dim3A_215 : vector<16xf32>
        %add3A_811 = arith.addf %add3A_755, %mul3A_810 : vector<16xf32>
        %add3A_812 = arith.constant 10 : i32
        %add3A_813 = arith.addi %add3A_184, %add3A_812 : i32
        %get3A_814 = arith.index_cast %add3A_813 : i32 to index
        %get3A_815 = arith.constant 48 : index
        %get3A_816 = tpu.vector_load %arg5[%get3A_814, %get3A_815] {strides = array<i32>} : memref<512x128xf32, #tpu.memory_space<vmem>>, vector<16xf32>,
        %mul3A_817 = arith.mulf %get3A_816, %broadcast_in_dim3A_215 : vector<16xf32>
        %add3A_818 = arith.addf %add3A_762, %mul3A_817 : vector<16xf32>
        %add3A_819 = arith.constant 10 : i32
        %add3A_820 = arith.addi %add3A_184, %add3A_819 : i32
        %get3A_821 = arith.index_cast %add3A_820 : i32 to index
        %get3A_822 = arith.constant 64 : index
        %get3A_823 = tpu.vector_load %arg5[%get3A_821, %get3A_822] {strides = array<i32>} : memref<512x128xf32, #tpu.memory_space<vmem>>, vector<16xf32>,
        %mul3A_824 = arith.mulf %get3A_823, %broadcast_in_dim3A_215 : vector<16xf32>
        %add3A_825 = arith.addf %add3A_769, %mul3A_824 : vector<16xf32>
        %add3A_826 = arith.constant 10 : i32
        %add3A_827 = arith.addi %add3A_184, %add3A_826 : i32
        %get3A_828 = arith.index_cast %add3A_827 : i32 to index
        %get3A_829 = arith.constant 80 : index
        %get3A_830 = tpu.vector_load %arg5[%get3A_828, %get3A_829] {strides = array<i32>} : memref<512x128xf32, #tpu.memory_space<vmem>>, vector<16xf32>,
        %mul3A_831 = arith.mulf %get3A_830, %broadcast_in_dim3A_215 : vector<16xf32>
        %add3A_832 = arith.addf %add3A_776, %mul3A_831 : vector<16xf32>
        %add3A_833 = arith.constant 10 : i32
        %add3A_834 = arith.addi %add3A_184, %add3A_833 : i32
        %get3A_835 = arith.index_cast %add3A_834 : i32 to index
        %get3A_836 = arith.constant 96 : index
        %get3A_837 = tpu.vector_load %arg5[%get3A_835, %get3A_836] {strides = array<i32>} : memref<512x128xf32, #tpu.memory_space<vmem>>, vector<16xf32>,
        %mul3A_838 = arith.mulf %get3A_837, %broadcast_in_dim3A_215 : vector<16xf32>
        %add3A_839 = arith.addf %add3A_783, %mul3A_838 : vector<16xf32>
        %add3A_840 = arith.constant 10 : i32
        %add3A_841 = arith.addi %add3A_184, %add3A_840 : i32
        %get3A_842 = arith.index_cast %add3A_841 : i32 to index
        %get3A_843 = arith.constant 112 : index
        %get3A_844 = tpu.vector_load %arg5[%get3A_842, %get3A_843] {strides = array<i32>} : memref<512x128xf32, #tpu.memory_space<vmem>>, vector<16xf32>,
        %mul3A_845 = arith.mulf %get3A_844, %broadcast_in_dim3A_215 : vector<16xf32>
        %add3A_846 = arith.addf %add3A_790, %mul3A_845 : vector<16xf32>
        %add3A_847 = arith.constant 11 : i32
        %add3A_848 = arith.addi %add3A_184, %add3A_847 : i32
        %get3A_849 = arith.index_cast %add3A_848 : i32 to index
        %get3A_850 = arith.constant 0 : index
        %get3A_851 = tpu.vector_load %arg5[%get3A_849, %get3A_850] {strides = array<i32>} : memref<512x128xf32, #tpu.memory_space<vmem>>, vector<16xf32>,
        %mul3A_852 = arith.mulf %get3A_851, %broadcast_in_dim3A_218 : vector<16xf32>
        %add3A_853 = arith.addf %add3A_797, %mul3A_852 : vector<16xf32>
        %add3A_854 = arith.constant 11 : i32
        %add3A_855 = arith.addi %add3A_184, %add3A_854 : i32
        %get3A_856 = arith.index_cast %add3A_855 : i32 to index
        %get3A_857 = arith.constant 16 : index
        %get3A_858 = tpu.vector_load %arg5[%get3A_856, %get3A_857] {strides = array<i32>} : memref<512x128xf32, #tpu.memory_space<vmem>>, vector<16xf32>,
        %mul3A_859 = arith.mulf %get3A_858, %broadcast_in_dim3A_218 : vector<16xf32>
        %add3A_860 = arith.addf %add3A_804, %mul3A_859 : vector<16xf32>
        %add3A_861 = arith.constant 11 : i32
        %add3A_862 = arith.addi %add3A_184, %add3A_861 : i32
        %get3A_863 = arith.index_cast %add3A_862 : i32 to index
        %get3A_864 = arith.constant 32 : index
        %get3A_865 = tpu.vector_load %arg5[%get3A_863, %get3A_864] {strides = array<i32>} : memref<512x128xf32, #tpu.memory_space<vmem>>, vector<16xf32>,
        %mul3A_866 = arith.mulf %get3A_865, %broadcast_in_dim3A_218 : vector<16xf32>
        %add3A_867 = arith.addf %add3A_811, %mul3A_866 : vector<16xf32>
        %add3A_868 = arith.constant 11 : i32
        %add3A_869 = arith.addi %add3A_184, %add3A_868 : i32
        %get3A_870 = arith.index_cast %add3A_869 : i32 to index
        %get3A_871 = arith.constant 48 : index
        %get3A_872 = tpu.vector_load %arg5[%get3A_870, %get3A_871] {strides = array<i32>} : memref<512x128xf32, #tpu.memory_space<vmem>>, vector<16xf32>,
        %mul3A_873 = arith.mulf %get3A_872, %broadcast_in_dim3A_218 : vector<16xf32>
        %add3A_874 = arith.addf %add3A_818, %mul3A_873 : vector<16xf32>
        %add3A_875 = arith.constant 11 : i32
        %add3A_876 = arith.addi %add3A_184, %add3A_875 : i32
        %get3A_877 = arith.index_cast %add3A_876 : i32 to index
        %get3A_878 = arith.constant 64 : index
        %get3A_879 = tpu.vector_load %arg5[%get3A_877, %get3A_878] {strides = array<i32>} : memref<512x128xf32, #tpu.memory_space<vmem>>, vector<16xf32>,
        %mul3A_880 = arith.mulf %get3A_879, %broadcast_in_dim3A_218 : vector<16xf32>
        %add3A_881 = arith.addf %add3A_825, %mul3A_880 : vector<16xf32>
        %add3A_882 = arith.constant 11 : i32
        %add3A_883 = arith.addi %add3A_184, %add3A_882 : i32
        %get3A_884 = arith.index_cast %add3A_883 : i32 to index
        %get3A_885 = arith.constant 80 : index
        %get3A_886 = tpu.vector_load %arg5[%get3A_884, %get3A_885] {strides = array<i32>} : memref<512x128xf32, #tpu.memory_space<vmem>>, vector<16xf32>,
        %mul3A_887 = arith.mulf %get3A_886, %broadcast_in_dim3A_218 : vector<16xf32>
        %add3A_888 = arith.addf %add3A_832, %mul3A_887 : vector<16xf32>
        %add3A_889 = arith.constant 11 : i32
        %add3A_890 = arith.addi %add3A_184, %add3A_889 : i32
        %get3A_891 = arith.index_cast %add3A_890 : i32 to index
        %get3A_892 = arith.constant 96 : index
        %get3A_893 = tpu.vector_load %arg5[%get3A_891, %get3A_892] {strides = array<i32>} : memref<512x128xf32, #tpu.memory_space<vmem>>, vector<16xf32>,
        %mul3A_894 = arith.mulf %get3A_893, %broadcast_in_dim3A_218 : vector<16xf32>
        %add3A_895 = arith.addf %add3A_839, %mul3A_894 : vector<16xf32>
        %add3A_896 = arith.constant 11 : i32
        %add3A_897 = arith.addi %add3A_184, %add3A_896 : i32
        %get3A_898 = arith.index_cast %add3A_897 : i32 to index
        %get3A_899 = arith.constant 112 : index
        %get3A_900 = tpu.vector_load %arg5[%get3A_898, %get3A_899] {strides = array<i32>} : memref<512x128xf32, #tpu.memory_space<vmem>>, vector<16xf32>,
        %mul3A_901 = arith.mulf %get3A_900, %broadcast_in_dim3A_218 : vector<16xf32>
        %add3A_902 = arith.addf %add3A_846, %mul3A_901 : vector<16xf32>
        %add3A_903 = arith.constant 12 : i32
        %add3A_904 = arith.addi %add3A_184, %add3A_903 : i32
        %get3A_905 = arith.index_cast %add3A_904 : i32 to index
        %get3A_906 = arith.constant 0 : index
        %get3A_907 = tpu.vector_load %arg5[%get3A_905, %get3A_906] {strides = array<i32>} : memref<512x128xf32, #tpu.memory_space<vmem>>, vector<16xf32>,
        %mul3A_908 = arith.mulf %get3A_907, %broadcast_in_dim3A_221 : vector<16xf32>
        %add3A_909 = arith.addf %add3A_853, %mul3A_908 : vector<16xf32>
        %add3A_910 = arith.constant 12 : i32
        %add3A_911 = arith.addi %add3A_184, %add3A_910 : i32
        %get3A_912 = arith.index_cast %add3A_911 : i32 to index
        %get3A_913 = arith.constant 16 : index
        %get3A_914 = tpu.vector_load %arg5[%get3A_912, %get3A_913] {strides = array<i32>} : memref<512x128xf32, #tpu.memory_space<vmem>>, vector<16xf32>,
        %mul3A_915 = arith.mulf %get3A_914, %broadcast_in_dim3A_221 : vector<16xf32>
        %add3A_916 = arith.addf %add3A_860, %mul3A_915 : vector<16xf32>
        %add3A_917 = arith.constant 12 : i32
        %add3A_918 = arith.addi %add3A_184, %add3A_917 : i32
        %get3A_919 = arith.index_cast %add3A_918 : i32 to index
        %get3A_920 = arith.constant 32 : index
        %get3A_921 = tpu.vector_load %arg5[%get3A_919, %get3A_920] {strides = array<i32>} : memref<512x128xf32, #tpu.memory_space<vmem>>, vector<16xf32>,
        %mul3A_922 = arith.mulf %get3A_921, %broadcast_in_dim3A_221 : vector<16xf32>
        %add3A_923 = arith.addf %add3A_867, %mul3A_922 : vector<16xf32>
        %add3A_924 = arith.constant 12 : i32
        %add3A_925 = arith.addi %add3A_184, %add3A_924 : i32
        %get3A_926 = arith.index_cast %add3A_925 : i32 to index
        %get3A_927 = arith.constant 48 : index
        %get3A_928 = tpu.vector_load %arg5[%get3A_926, %get3A_927] {strides = array<i32>} : memref<512x128xf32, #tpu.memory_space<vmem>>, vector<16xf32>,
        %mul3A_929 = arith.mulf %get3A_928, %broadcast_in_dim3A_221 : vector<16xf32>
        %add3A_930 = arith.addf %add3A_874, %mul3A_929 : vector<16xf32>
        %add3A_931 = arith.constant 12 : i32
        %add3A_932 = arith.addi %add3A_184, %add3A_931 : i32
        %get3A_933 = arith.index_cast %add3A_932 : i32 to index
        %get3A_934 = arith.constant 64 : index
        %get3A_935 = tpu.vector_load %arg5[%get3A_933, %get3A_934] {strides = array<i32>} : memref<512x128xf32, #tpu.memory_space<vmem>>, vector<16xf32>,
        %mul3A_936 = arith.mulf %get3A_935, %broadcast_in_dim3A_221 : vector<16xf32>
        %add3A_937 = arith.addf %add3A_881, %mul3A_936 : vector<16xf32>
        %add3A_938 = arith.constant 12 : i32
        %add3A_939 = arith.addi %add3A_184, %add3A_938 : i32
        %get3A_940 = arith.index_cast %add3A_939 : i32 to index
        %get3A_941 = arith.constant 80 : index
        %get3A_942 = tpu.vector_load %arg5[%get3A_940, %get3A_941] {strides = array<i32>} : memref<512x128xf32, #tpu.memory_space<vmem>>, vector<16xf32>,
        %mul3A_943 = arith.mulf %get3A_942, %broadcast_in_dim3A_221 : vector<16xf32>
        %add3A_944 = arith.addf %add3A_888, %mul3A_943 : vector<16xf32>
        %add3A_945 = arith.constant 12 : i32
        %add3A_946 = arith.addi %add3A_184, %add3A_945 : i32
        %get3A_947 = arith.index_cast %add3A_946 : i32 to index
        %get3A_948 = arith.constant 96 : index
        %get3A_949 = tpu.vector_load %arg5[%get3A_947, %get3A_948] {strides = array<i32>} : memref<512x128xf32, #tpu.memory_space<vmem>>, vector<16xf32>,
        %mul3A_950 = arith.mulf %get3A_949, %broadcast_in_dim3A_221 : vector<16xf32>
        %add3A_951 = arith.addf %add3A_895, %mul3A_950 : vector<16xf32>
        %add3A_952 = arith.constant 12 : i32
        %add3A_953 = arith.addi %add3A_184, %add3A_952 : i32
        %get3A_954 = arith.index_cast %add3A_953 : i32 to index
        %get3A_955 = arith.constant 112 : index
        %get3A_956 = tpu.vector_load %arg5[%get3A_954, %get3A_955] {strides = array<i32>} : memref<512x128xf32, #tpu.memory_space<vmem>>, vector<16xf32>,
        %mul3A_957 = arith.mulf %get3A_956, %broadcast_in_dim3A_221 : vector<16xf32>
        %add3A_958 = arith.addf %add3A_902, %mul3A_957 : vector<16xf32>
        %add3A_959 = arith.constant 13 : i32
        %add3A_960 = arith.addi %add3A_184, %add3A_959 : i32
        %get3A_961 = arith.index_cast %add3A_960 : i32 to index
        %get3A_962 = arith.constant 0 : index
        %get3A_963 = tpu.vector_load %arg5[%get3A_961, %get3A_962] {strides = array<i32>} : memref<512x128xf32, #tpu.memory_space<vmem>>, vector<16xf32>,
        %mul3A_964 = arith.mulf %get3A_963, %broadcast_in_dim3A_224 : vector<16xf32>
        %add3A_965 = arith.addf %add3A_909, %mul3A_964 : vector<16xf32>
        %add3A_966 = arith.constant 13 : i32
        %add3A_967 = arith.addi %add3A_184, %add3A_966 : i32
        %get3A_968 = arith.index_cast %add3A_967 : i32 to index
        %get3A_969 = arith.constant 16 : index
        %get3A_970 = tpu.vector_load %arg5[%get3A_968, %get3A_969] {strides = array<i32>} : memref<512x128xf32, #tpu.memory_space<vmem>>, vector<16xf32>,
        %mul3A_971 = arith.mulf %get3A_970, %broadcast_in_dim3A_224 : vector<16xf32>
        %add3A_972 = arith.addf %add3A_916, %mul3A_971 : vector<16xf32>
        %add3A_973 = arith.constant 13 : i32
        %add3A_974 = arith.addi %add3A_184, %add3A_973 : i32
        %get3A_975 = arith.index_cast %add3A_974 : i32 to index
        %get3A_976 = arith.constant 32 : index
        %get3A_977 = tpu.vector_load %arg5[%get3A_975, %get3A_976] {strides = array<i32>} : memref<512x128xf32, #tpu.memory_space<vmem>>, vector<16xf32>,
        %mul3A_978 = arith.mulf %get3A_977, %broadcast_in_dim3A_224 : vector<16xf32>
        %add3A_979 = arith.addf %add3A_923, %mul3A_978 : vector<16xf32>
        %add3A_980 = arith.constant 13 : i32
        %add3A_981 = arith.addi %add3A_184, %add3A_980 : i32
        %get3A_982 = arith.index_cast %add3A_981 : i32 to index
        %get3A_983 = arith.constant 48 : index
        %get3A_984 = tpu.vector_load %arg5[%get3A_982, %get3A_983] {strides = array<i32>} : memref<512x128xf32, #tpu.memory_space<vmem>>, vector<16xf32>,
        %mul3A_985 = arith.mulf %get3A_984, %broadcast_in_dim3A_224 : vector<16xf32>
        %add3A_986 = arith.addf %add3A_930, %mul3A_985 : vector<16xf32>
        %add3A_987 = arith.constant 13 : i32
        %add3A_988 = arith.addi %add3A_184, %add3A_987 : i32
        %get3A_989 = arith.index_cast %add3A_988 : i32 to index
        %get3A_990 = arith.constant 64 : index
        %get3A_991 = tpu.vector_load %arg5[%get3A_989, %get3A_990] {strides = array<i32>} : memref<512x128xf32, #tpu.memory_space<vmem>>, vector<16xf32>,
        %mul3A_992 = arith.mulf %get3A_991, %broadcast_in_dim3A_224 : vector<16xf32>
        %add3A_993 = arith.addf %add3A_937, %mul3A_992 : vector<16xf32>
        %add3A_994 = arith.constant 13 : i32
        %add3A_995 = arith.addi %add3A_184, %add3A_994 : i32
        %get3A_996 = arith.index_cast %add3A_995 : i32 to index
        %get3A_997 = arith.constant 80 : index
        %get3A_998 = tpu.vector_load %arg5[%get3A_996, %get3A_997] {strides = array<i32>} : memref<512x128xf32, #tpu.memory_space<vmem>>, vector<16xf32>,
        %mul3A_999 = arith.mulf %get3A_998, %broadcast_in_dim3A_224 : vector<16xf32>
        %add3A_1000 = arith.addf %add3A_944, %mul3A_999 : vector<16xf32>
        %add3A_1001 = arith.constant 13 : i32
        %add3A_1002 = arith.addi %add3A_184, %add3A_1001 : i32
        %get3A_1003 = arith.index_cast %add3A_1002 : i32 to index
        %get3A_1004 = arith.constant 96 : index
        %get3A_1005 = tpu.vector_load %arg5[%get3A_1003, %get3A_1004] {strides = array<i32>} : memref<512x128xf32, #tpu.memory_space<vmem>>, vector<16xf32>,
        %mul3A_1006 = arith.mulf %get3A_1005, %broadcast_in_dim3A_224 : vector<16xf32>
        %add3A_1007 = arith.addf %add3A_951, %mul3A_1006 : vector<16xf32>
        %add3A_1008 = arith.constant 13 : i32
        %add3A_1009 = arith.addi %add3A_184, %add3A_1008 : i32
        %get3A_1010 = arith.index_cast %add3A_1009 : i32 to index
        %get3A_1011 = arith.constant 112 : index
        %get3A_1012 = tpu.vector_load %arg5[%get3A_1010, %get3A_1011] {strides = array<i32>} : memref<512x128xf32, #tpu.memory_space<vmem>>, vector<16xf32>,
        %mul3A_1013 = arith.mulf %get3A_1012, %broadcast_in_dim3A_224 : vector<16xf32>
        %add3A_1014 = arith.addf %add3A_958, %mul3A_1013 : vector<16xf32>
        %add3A_1015 = arith.constant 14 : i32
        %add3A_1016 = arith.addi %add3A_184, %add3A_1015 : i32
        %get3A_1017 = arith.index_cast %add3A_1016 : i32 to index
        %get3A_1018 = arith.constant 0 : index
        %get3A_1019 = tpu.vector_load %arg5[%get3A_1017, %get3A_1018] {strides = array<i32>} : memref<512x128xf32, #tpu.memory_space<vmem>>, vector<16xf32>,
        %mul3A_1020 = arith.mulf %get3A_1019, %broadcast_in_dim3A_227 : vector<16xf32>
        %add3A_1021 = arith.addf %add3A_965, %mul3A_1020 : vector<16xf32>
        %add3A_1022 = arith.constant 14 : i32
        %add3A_1023 = arith.addi %add3A_184, %add3A_1022 : i32
        %get3A_1024 = arith.index_cast %add3A_1023 : i32 to index
        %get3A_1025 = arith.constant 16 : index
        %get3A_1026 = tpu.vector_load %arg5[%get3A_1024, %get3A_1025] {strides = array<i32>} : memref<512x128xf32, #tpu.memory_space<vmem>>, vector<16xf32>,
        %mul3A_1027 = arith.mulf %get3A_1026, %broadcast_in_dim3A_227 : vector<16xf32>
        %add3A_1028 = arith.addf %add3A_972, %mul3A_1027 : vector<16xf32>
        %add3A_1029 = arith.constant 14 : i32
        %add3A_1030 = arith.addi %add3A_184, %add3A_1029 : i32
        %get3A_1031 = arith.index_cast %add3A_1030 : i32 to index
        %get3A_1032 = arith.constant 32 : index
        %get3A_1033 = tpu.vector_load %arg5[%get3A_1031, %get3A_1032] {strides = array<i32>} : memref<512x128xf32, #tpu.memory_space<vmem>>, vector<16xf32>,
        %mul3A_1034 = arith.mulf %get3A_1033, %broadcast_in_dim3A_227 : vector<16xf32>
        %add3A_1035 = arith.addf %add3A_979, %mul3A_1034 : vector<16xf32>
        %add3A_1036 = arith.constant 14 : i32
        %add3A_1037 = arith.addi %add3A_184, %add3A_1036 : i32
        %get3A_1038 = arith.index_cast %add3A_1037 : i32 to index
        %get3A_1039 = arith.constant 48 : index
        %get3A_1040 = tpu.vector_load %arg5[%get3A_1038, %get3A_1039] {strides = array<i32>} : memref<512x128xf32, #tpu.memory_space<vmem>>, vector<16xf32>,
        %mul3A_1041 = arith.mulf %get3A_1040, %broadcast_in_dim3A_227 : vector<16xf32>
        %add3A_1042 = arith.addf %add3A_986, %mul3A_1041 : vector<16xf32>
        %add3A_1043 = arith.constant 14 : i32
        %add3A_1044 = arith.addi %add3A_184, %add3A_1043 : i32
        %get3A_1045 = arith.index_cast %add3A_1044 : i32 to index
        %get3A_1046 = arith.constant 64 : index
        %get3A_1047 = tpu.vector_load %arg5[%get3A_1045, %get3A_1046] {strides = array<i32>} : memref<512x128xf32, #tpu.memory_space<vmem>>, vector<16xf32>,
        %mul3A_1048 = arith.mulf %get3A_1047, %broadcast_in_dim3A_227 : vector<16xf32>
        %add3A_1049 = arith.addf %add3A_993, %mul3A_1048 : vector<16xf32>
        %add3A_1050 = arith.constant 14 : i32
        %add3A_1051 = arith.addi %add3A_184, %add3A_1050 : i32
        %get3A_1052 = arith.index_cast %add3A_1051 : i32 to index
        %get3A_1053 = arith.constant 80 : index
        %get3A_1054 = tpu.vector_load %arg5[%get3A_1052, %get3A_1053] {strides = array<i32>} : memref<512x128xf32, #tpu.memory_space<vmem>>, vector<16xf32>,
        %mul3A_1055 = arith.mulf %get3A_1054, %broadcast_in_dim3A_227 : vector<16xf32>
        %add3A_1056 = arith.addf %add3A_1000, %mul3A_1055 : vector<16xf32>
        %add3A_1057 = arith.constant 14 : i32
        %add3A_1058 = arith.addi %add3A_184, %add3A_1057 : i32
        %get3A_1059 = arith.index_cast %add3A_1058 : i32 to index
        %get3A_1060 = arith.constant 96 : index
        %get3A_1061 = tpu.vector_load %arg5[%get3A_1059, %get3A_1060] {strides = array<i32>} : memref<512x128xf32, #tpu.memory_space<vmem>>, vector<16xf32>,
        %mul3A_1062 = arith.mulf %get3A_1061, %broadcast_in_dim3A_227 : vector<16xf32>
        %add3A_1063 = arith.addf %add3A_1007, %mul3A_1062 : vector<16xf32>
        %add3A_1064 = arith.constant 14 : i32
        %add3A_1065 = arith.addi %add3A_184, %add3A_1064 : i32
        %get3A_1066 = arith.index_cast %add3A_1065 : i32 to index
        %get3A_1067 = arith.constant 112 : index
        %get3A_1068 = tpu.vector_load %arg5[%get3A_1066, %get3A_1067] {strides = array<i32>} : memref<512x128xf32, #tpu.memory_space<vmem>>, vector<16xf32>,
        %mul3A_1069 = arith.mulf %get3A_1068, %broadcast_in_dim3A_227 : vector<16xf32>
        %add3A_1070 = arith.addf %add3A_1014, %mul3A_1069 : vector<16xf32>
        %add3A_1071 = arith.constant 15 : i32
        %add3A_1072 = arith.addi %add3A_184, %add3A_1071 : i32
        %get3A_1073 = arith.index_cast %add3A_1072 : i32 to index
        %get3A_1074 = arith.constant 0 : index
        %get3A_1075 = tpu.vector_load %arg5[%get3A_1073, %get3A_1074] {strides = array<i32>} : memref<512x128xf32, #tpu.memory_space<vmem>>, vector<16xf32>,
        %mul3A_1076 = arith.mulf %get3A_1075, %broadcast_in_dim3A_230 : vector<16xf32>
        %add3A_1077 = arith.addf %add3A_1021, %mul3A_1076 : vector<16xf32>
        %add3A_1078 = arith.constant 15 : i32
        %add3A_1079 = arith.addi %add3A_184, %add3A_1078 : i32
        %get3A_1080 = arith.index_cast %add3A_1079 : i32 to index
        %get3A_1081 = arith.constant 16 : index
        %get3A_1082 = tpu.vector_load %arg5[%get3A_1080, %get3A_1081] {strides = array<i32>} : memref<512x128xf32, #tpu.memory_space<vmem>>, vector<16xf32>,
        %mul3A_1083 = arith.mulf %get3A_1082, %broadcast_in_dim3A_230 : vector<16xf32>
        %add3A_1084 = arith.addf %add3A_1028, %mul3A_1083 : vector<16xf32>
        %add3A_1085 = arith.constant 15 : i32
        %add3A_1086 = arith.addi %add3A_184, %add3A_1085 : i32
        %get3A_1087 = arith.index_cast %add3A_1086 : i32 to index
        %get3A_1088 = arith.constant 32 : index
        %get3A_1089 = tpu.vector_load %arg5[%get3A_1087, %get3A_1088] {strides = array<i32>} : memref<512x128xf32, #tpu.memory_space<vmem>>, vector<16xf32>,
        %mul3A_1090 = arith.mulf %get3A_1089, %broadcast_in_dim3A_230 : vector<16xf32>
        %add3A_1091 = arith.addf %add3A_1035, %mul3A_1090 : vector<16xf32>
        %add3A_1092 = arith.constant 15 : i32
        %add3A_1093 = arith.addi %add3A_184, %add3A_1092 : i32
        %get3A_1094 = arith.index_cast %add3A_1093 : i32 to index
        %get3A_1095 = arith.constant 48 : index
        %get3A_1096 = tpu.vector_load %arg5[%get3A_1094, %get3A_1095] {strides = array<i32>} : memref<512x128xf32, #tpu.memory_space<vmem>>, vector<16xf32>,
        %mul3A_1097 = arith.mulf %get3A_1096, %broadcast_in_dim3A_230 : vector<16xf32>
        %add3A_1098 = arith.addf %add3A_1042, %mul3A_1097 : vector<16xf32>
        %add3A_1099 = arith.constant 15 : i32
        %add3A_1100 = arith.addi %add3A_184, %add3A_1099 : i32
        %get3A_1101 = arith.index_cast %add3A_1100 : i32 to index
        %get3A_1102 = arith.constant 64 : index
        %get3A_1103 = tpu.vector_load %arg5[%get3A_1101, %get3A_1102] {strides = array<i32>} : memref<512x128xf32, #tpu.memory_space<vmem>>, vector<16xf32>,
        %mul3A_1104 = arith.mulf %get3A_1103, %broadcast_in_dim3A_230 : vector<16xf32>
        %add3A_1105 = arith.addf %add3A_1049, %mul3A_1104 : vector<16xf32>
        %add3A_1106 = arith.constant 15 : i32
        %add3A_1107 = arith.addi %add3A_184, %add3A_1106 : i32
        %get3A_1108 = arith.index_cast %add3A_1107 : i32 to index
        %get3A_1109 = arith.constant 80 : index
        %get3A_1110 = tpu.vector_load %arg5[%get3A_1108, %get3A_1109] {strides = array<i32>} : memref<512x128xf32, #tpu.memory_space<vmem>>, vector<16xf32>,
        %mul3A_1111 = arith.mulf %get3A_1110, %broadcast_in_dim3A_230 : vector<16xf32>
        %add3A_1112 = arith.addf %add3A_1056, %mul3A_1111 : vector<16xf32>
        %add3A_1113 = arith.constant 15 : i32
        %add3A_1114 = arith.addi %add3A_184, %add3A_1113 : i32
        %get3A_1115 = arith.index_cast %add3A_1114 : i32 to index
        %get3A_1116 = arith.constant 96 : index
        %get3A_1117 = tpu.vector_load %arg5[%get3A_1115, %get3A_1116] {strides = array<i32>} : memref<512x128xf32, #tpu.memory_space<vmem>>, vector<16xf32>,
        %mul3A_1118 = arith.mulf %get3A_1117, %broadcast_in_dim3A_230 : vector<16xf32>
        %add3A_1119 = arith.addf %add3A_1063, %mul3A_1118 : vector<16xf32>
        %add3A_1120 = arith.constant 15 : i32
        %add3A_1121 = arith.addi %add3A_184, %add3A_1120 : i32
        %get3A_1122 = arith.index_cast %add3A_1121 : i32 to index
        %get3A_1123 = arith.constant 112 : index
        %get3A_1124 = tpu.vector_load %arg5[%get3A_1122, %get3A_1123] {strides = array<i32>} : memref<512x128xf32, #tpu.memory_space<vmem>>, vector<16xf32>,
        %mul3A_1125 = arith.mulf %get3A_1124, %broadcast_in_dim3A_230 : vector<16xf32>
        %add3A_1126 = arith.addf %add3A_1070, %mul3A_1125 : vector<16xf32>
        scf.yield %add3A_1077, %add3A_1084, %add3A_1091, %add3A_1098, %add3A_1105, %add3A_1112, %add3A_1119, %add3A_1126 : vector<16xf32>, vector<16xf32>, vector<16xf32>, vector<16xf32>, vector<16xf32>, vector<16xf32>, vector<16xf32>, vector<16xf32>
      }
      %scan3A_158 = arith.constant 16 : i32
      scf.yield %scan3A_157#0, %scan3A_157#1, %scan3A_157#2, %scan3A_157#3, %scan3A_157#4, %scan3A_157#5, %scan3A_157#6, %scan3A_157#7 : vector<16xf32>, vector<16xf32>, vector<16xf32>, vector<16xf32>, vector<16xf32>, vector<16xf32>, vector<16xf32>, vector<16xf32>
    }
    %scan3A_74 = arith.constant 4 : i32
    %swap3A = arith.constant 0 : index
    %swap3A_75 = tpu.vector_load %arg7[%swap3A] {strides = array<i32>} : memref<144xf32, #tpu.memory_space<vmem>>, vector<16xf32>,
    tpu.vector_store %arg7[%swap3A], %scan3A_73#0 {strides = array<i32>} : memref<144xf32, #tpu.memory_space<vmem>>, vector<16xf32>,
    %swap3A_76 = arith.constant 16 : index
    %swap3A_77 = tpu.vector_load %arg7[%swap3A_76] {strides = array<i32>} : memref<144xf32, #tpu.memory_space<vmem>>, vector<16xf32>,
    tpu.vector_store %arg7[%swap3A_76], %scan3A_73#1 {strides = array<i32>} : memref<144xf32, #tpu.memory_space<vmem>>, vector<16xf32>,
    %swap3A_78 = arith.constant 32 : index
    %swap3A_79 = tpu.vector_load %arg7[%swap3A_78] {strides = array<i32>} : memref<144xf32, #tpu.memory_space<vmem>>, vector<16xf32>,
    tpu.vector_store %arg7[%swap3A_78], %scan3A_73#2 {strides = array<i32>} : memref<144xf32, #tpu.memory_space<vmem>>, vector<16xf32>,
    %swap3A_80 = arith.constant 48 : index
    %swap3A_81 = tpu.vector_load %arg7[%swap3A_80] {strides = array<i32>} : memref<144xf32, #tpu.memory_space<vmem>>, vector<16xf32>,
    tpu.vector_store %arg7[%swap3A_80], %scan3A_73#3 {strides = array<i32>} : memref<144xf32, #tpu.memory_space<vmem>>, vector<16xf32>,
    %swap3A_82 = arith.constant 64 : index
    %swap3A_83 = tpu.vector_load %arg7[%swap3A_82] {strides = array<i32>} : memref<144xf32, #tpu.memory_space<vmem>>, vector<16xf32>,
    tpu.vector_store %arg7[%swap3A_82], %scan3A_73#4 {strides = array<i32>} : memref<144xf32, #tpu.memory_space<vmem>>, vector<16xf32>,
    %swap3A_84 = arith.constant 80 : index
    %swap3A_85 = tpu.vector_load %arg7[%swap3A_84] {strides = array<i32>} : memref<144xf32, #tpu.memory_space<vmem>>, vector<16xf32>,
    tpu.vector_store %arg7[%swap3A_84], %scan3A_73#5 {strides = array<i32>} : memref<144xf32, #tpu.memory_space<vmem>>, vector<16xf32>,
    %swap3A_86 = arith.constant 96 : index
    %swap3A_87 = tpu.vector_load %arg7[%swap3A_86] {strides = array<i32>} : memref<144xf32, #tpu.memory_space<vmem>>, vector<16xf32>,
    tpu.vector_store %arg7[%swap3A_86], %scan3A_73#6 {strides = array<i32>} : memref<144xf32, #tpu.memory_space<vmem>>, vector<16xf32>,
    %swap3A_88 = arith.constant 112 : index
    %swap3A_89 = tpu.vector_load %arg7[%swap3A_88] {strides = array<i32>} : memref<144xf32, #tpu.memory_space<vmem>>, vector<16xf32>,
    tpu.vector_store %arg7[%swap3A_88], %scan3A_73#7 {strides = array<i32>} : memref<144xf32, #tpu.memory_space<vmem>>, vector<16xf32>,
    %convert_element_type3A = arith.sitofp %scan3A_51 : vector<16xi32> to vector<16xf32>
    %swap3A_90 = arith.constant 128 : index
    %swap3A_91 = tpu.vector_load %arg7[%swap3A_90] {strides = array<i32>} : memref<144xf32, #tpu.memory_space<vmem>>, vector<16xf32>,
    tpu.vector_store %arg7[%swap3A_90], %convert_element_type3A {strides = array<i32>} : memref<144xf32, #tpu.memory_space<vmem>>, vector<16xf32>,
    "tpu.region"() ({
      %run_scoped3A = tpu.sem_alloc : memref<!tpu.dma_semaphore, #tpu.memory_space<semaphore_mem>>
      %dma_start3A_96 = arith.constant 0 : i32
      %dma_start3A_97 = tpu.memref_slice %arg10[%arg1, %dma_start3A_96] : memref<16x144xf32, #tpu.memory_space<vmem_shared>> -> memref<1x144xf32, #tpu.memory_space<vmem_shared>>
      %dma_start3A_98 = tpu.memref_squeeze %dma_start3A_97 : memref<1x144xf32, #tpu.memory_space<vmem_shared>> -> memref<144xf32, #tpu.memory_space<vmem_shared>>
      %dma_start3A_99 = arith.constant 0 : i32
      %dma_start3A_100 = tpu.memref_slice %arg10[%arg1, %dma_start3A_99] : memref<16x144xf32, #tpu.memory_space<vmem_shared>> -> memref<1x144xf32, #tpu.memory_space<vmem_shared>>
      %dma_start3A_101 = tpu.memref_squeeze %dma_start3A_100 : memref<1x144xf32, #tpu.memory_space<vmem_shared>> -> memref<144xf32, #tpu.memory_space<vmem_shared>>
      tpu.enqueue_dma source(%arg7 : memref<144xf32, #tpu.memory_space<vmem>>) target(%dma_start3A_101 : memref<144xf32, #tpu.memory_space<vmem_shared>>) target_semaphore(%run_scoped3A : memref<!tpu.dma_semaphore, #tpu.memory_space<semaphore_mem>>)
      %dma_wait3A = arith.constant 0 : i32
      %dma_wait3A_102 = tpu.memref_slice %arg10[%arg1, %dma_wait3A] : memref<16x144xf32, #tpu.memory_space<vmem_shared>> -> memref<1x144xf32, #tpu.memory_space<vmem_shared>>
      %dma_wait3A_103 = tpu.memref_squeeze %dma_wait3A_102 : memref<1x144xf32, #tpu.memory_space<vmem_shared>> -> memref<144xf32, #tpu.memory_space<vmem_shared>>
      %dma_wait3A_104 = arith.constant 0 : i32
      %dma_wait3A_105 = tpu.memref_slice %arg10[%arg1, %dma_wait3A_104] : memref<16x144xf32, #tpu.memory_space<vmem_shared>> -> memref<1x144xf32, #tpu.memory_space<vmem_shared>>
      %dma_wait3A_106 = tpu.memref_squeeze %dma_wait3A_105 : memref<1x144xf32, #tpu.memory_space<vmem_shared>> -> memref<144xf32, #tpu.memory_space<vmem_shared>>
      tpu.wait_dma2 semaphore(%run_scoped3A : memref<!tpu.dma_semaphore, #tpu.memory_space<semaphore_mem>>) src(%arg7 : memref<144xf32, #tpu.memory_space<vmem>>) dst(%dma_wait3A_106 : memref<144xf32, #tpu.memory_space<vmem_shared>>)
      tpu.yield
    }) : () -> ()
    %barrier3A = arith.constant 0 : index
    tpu.barrier barrier_id(%barrier3A)
    %eq3A_92 = arith.constant 0 : i32
    %eq3A_93 = arith.cmpi eq, %select_n3A_30, %eq3A_92 : i32
    %convert_element_type3A_94 = arith.extui %eq3A_93 : i1 to i32
    %cond3A = arith.constant 0 : i32
    %cond3A_95 = arith.cmpi ne, %convert_element_type3A_94, %cond3A : i32
    scf.if %cond3A_95 {
      "tpu.region"() ({
        %run_scoped3A = tpu.sem_alloc : memref<!tpu.dma_semaphore, #tpu.memory_space<semaphore_mem>>
        %dma_start3A_166 = arith.constant 0 : i32
        %dma_start3A_167 = tpu.memref_slice %arg10[%arg1, %dma_start3A_166] : memref<16x144xf32, #tpu.memory_space<vmem_shared>> -> memref<1x144xf32, #tpu.memory_space<vmem_shared>>
        %dma_start3A_168 = tpu.memref_squeeze %dma_start3A_167 : memref<1x144xf32, #tpu.memory_space<vmem_shared>> -> memref<144xf32, #tpu.memory_space<vmem_shared>>
        %dma_start3A_169 = arith.constant 0 : i32
        %dma_start3A_170 = tpu.memref_slice %arg10[%arg1, %dma_start3A_169] : memref<16x144xf32, #tpu.memory_space<vmem_shared>> -> memref<1x144xf32, #tpu.memory_space<vmem_shared>>
        %dma_start3A_171 = tpu.memref_squeeze %dma_start3A_170 : memref<1x144xf32, #tpu.memory_space<vmem_shared>> -> memref<144xf32, #tpu.memory_space<vmem_shared>>
        tpu.enqueue_dma source(%dma_start3A_171 : memref<144xf32, #tpu.memory_space<vmem_shared>>) target(%arg8 : memref<144xf32, #tpu.memory_space<vmem>>) target_semaphore(%run_scoped3A : memref<!tpu.dma_semaphore, #tpu.memory_space<semaphore_mem>>)
        %dma_wait3A = arith.constant 0 : i32
        %dma_wait3A_172 = tpu.memref_slice %arg10[%arg1, %dma_wait3A] : memref<16x144xf32, #tpu.memory_space<vmem_shared>> -> memref<1x144xf32, #tpu.memory_space<vmem_shared>>
        %dma_wait3A_173 = tpu.memref_squeeze %dma_wait3A_172 : memref<1x144xf32, #tpu.memory_space<vmem_shared>> -> memref<144xf32, #tpu.memory_space<vmem_shared>>
        %dma_wait3A_174 = arith.constant 0 : i32
        %dma_wait3A_175 = tpu.memref_slice %arg10[%arg1, %dma_wait3A_174] : memref<16x144xf32, #tpu.memory_space<vmem_shared>> -> memref<1x144xf32, #tpu.memory_space<vmem_shared>>
        %dma_wait3A_176 = tpu.memref_squeeze %dma_wait3A_175 : memref<1x144xf32, #tpu.memory_space<vmem_shared>> -> memref<144xf32, #tpu.memory_space<vmem_shared>>
        tpu.wait_dma2 semaphore(%run_scoped3A : memref<!tpu.dma_semaphore, #tpu.memory_space<semaphore_mem>>) src(%dma_wait3A_176 : memref<144xf32, #tpu.memory_space<vmem_shared>>) dst(%arg8 : memref<144xf32, #tpu.memory_space<vmem>>)
        tpu.yield
      }) : () -> ()
      %add3A_96 = arith.constant 1 : i32
      %add3A_97 = arith.addi %arg1, %add3A_96 : i32
      "tpu.region"() ({
        %run_scoped3A = tpu.sem_alloc : memref<!tpu.dma_semaphore, #tpu.memory_space<semaphore_mem>>
        %dma_start3A_166 = arith.constant 0 : i32
        %dma_start3A_167 = tpu.memref_slice %arg10[%add3A_97, %dma_start3A_166] : memref<16x144xf32, #tpu.memory_space<vmem_shared>> -> memref<1x144xf32, #tpu.memory_space<vmem_shared>>
        %dma_start3A_168 = tpu.memref_squeeze %dma_start3A_167 : memref<1x144xf32, #tpu.memory_space<vmem_shared>> -> memref<144xf32, #tpu.memory_space<vmem_shared>>
        %dma_start3A_169 = arith.constant 0 : i32
        %dma_start3A_170 = tpu.memref_slice %arg10[%add3A_97, %dma_start3A_169] : memref<16x144xf32, #tpu.memory_space<vmem_shared>> -> memref<1x144xf32, #tpu.memory_space<vmem_shared>>
        %dma_start3A_171 = tpu.memref_squeeze %dma_start3A_170 : memref<1x144xf32, #tpu.memory_space<vmem_shared>> -> memref<144xf32, #tpu.memory_space<vmem_shared>>
        tpu.enqueue_dma source(%dma_start3A_171 : memref<144xf32, #tpu.memory_space<vmem_shared>>) target(%arg9 : memref<144xf32, #tpu.memory_space<vmem>>) target_semaphore(%run_scoped3A : memref<!tpu.dma_semaphore, #tpu.memory_space<semaphore_mem>>)
        %dma_wait3A = arith.constant 0 : i32
        %dma_wait3A_172 = tpu.memref_slice %arg10[%add3A_97, %dma_wait3A] : memref<16x144xf32, #tpu.memory_space<vmem_shared>> -> memref<1x144xf32, #tpu.memory_space<vmem_shared>>
        %dma_wait3A_173 = tpu.memref_squeeze %dma_wait3A_172 : memref<1x144xf32, #tpu.memory_space<vmem_shared>> -> memref<144xf32, #tpu.memory_space<vmem_shared>>
        %dma_wait3A_174 = arith.constant 0 : i32
        %dma_wait3A_175 = tpu.memref_slice %arg10[%add3A_97, %dma_wait3A_174] : memref<16x144xf32, #tpu.memory_space<vmem_shared>> -> memref<1x144xf32, #tpu.memory_space<vmem_shared>>
        %dma_wait3A_176 = tpu.memref_squeeze %dma_wait3A_175 : memref<1x144xf32, #tpu.memory_space<vmem_shared>> -> memref<144xf32, #tpu.memory_space<vmem_shared>>
        tpu.wait_dma2 semaphore(%run_scoped3A : memref<!tpu.dma_semaphore, #tpu.memory_space<semaphore_mem>>) src(%dma_wait3A_176 : memref<144xf32, #tpu.memory_space<vmem_shared>>) dst(%arg9 : memref<144xf32, #tpu.memory_space<vmem>>)
        tpu.yield
      }) : () -> ()
      %get3A = arith.constant 128 : index
      %get3A_98 = tpu.vector_load %arg8[%get3A] {strides = array<i32>} : memref<144xf32, #tpu.memory_space<vmem>>, vector<16xf32>,
      %get3A_99 = arith.constant 128 : index
      %get3A_100 = tpu.vector_load %arg9[%get3A_99] {strides = array<i32>} : memref<144xf32, #tpu.memory_space<vmem>>, vector<16xf32>,
      %add3A_101 = arith.addf %get3A_98, %get3A_100 : vector<16xf32>
      %get3A_102 = arith.constant 0 : index
      %get3A_103 = tpu.vector_load %arg8[%get3A_102] {strides = array<i32>} : memref<144xf32, #tpu.memory_space<vmem>>, vector<16xf32>,
      %get3A_104 = arith.constant 0 : index
      %get3A_105 = tpu.vector_load %arg9[%get3A_104] {strides = array<i32>} : memref<144xf32, #tpu.memory_space<vmem>>, vector<16xf32>,
      %add3A_106 = arith.addf %get3A_103, %get3A_105 : vector<16xf32>
      %div3A_107 = arith.divf %add3A_106, %add3A_101 : vector<16xf32>
      %swap3A_108 = arith.constant 0 : index
      %swap3A_109 = tpu.vector_load %arg7[%swap3A_108] {strides = array<i32>} : memref<144xf32, #tpu.memory_space<vmem>>, vector<16xf32>,
      tpu.vector_store %arg7[%swap3A_108], %div3A_107 {strides = array<i32>} : memref<144xf32, #tpu.memory_space<vmem>>, vector<16xf32>,
      %get3A_110 = arith.constant 16 : index
      %get3A_111 = tpu.vector_load %arg8[%get3A_110] {strides = array<i32>} : memref<144xf32, #tpu.memory_space<vmem>>, vector<16xf32>,
      %get3A_112 = arith.constant 16 : index
      %get3A_113 = tpu.vector_load %arg9[%get3A_112] {strides = array<i32>} : memref<144xf32, #tpu.memory_space<vmem>>, vector<16xf32>,
      %add3A_114 = arith.addf %get3A_111, %get3A_113 : vector<16xf32>
      %div3A_115 = arith.divf %add3A_114, %add3A_101 : vector<16xf32>
      %swap3A_116 = arith.constant 16 : index
      %swap3A_117 = tpu.vector_load %arg7[%swap3A_116] {strides = array<i32>} : memref<144xf32, #tpu.memory_space<vmem>>, vector<16xf32>,
      tpu.vector_store %arg7[%swap3A_116], %div3A_115 {strides = array<i32>} : memref<144xf32, #tpu.memory_space<vmem>>, vector<16xf32>,
      %get3A_118 = arith.constant 32 : index
      %get3A_119 = tpu.vector_load %arg8[%get3A_118] {strides = array<i32>} : memref<144xf32, #tpu.memory_space<vmem>>, vector<16xf32>,
      %get3A_120 = arith.constant 32 : index
      %get3A_121 = tpu.vector_load %arg9[%get3A_120] {strides = array<i32>} : memref<144xf32, #tpu.memory_space<vmem>>, vector<16xf32>,
      %add3A_122 = arith.addf %get3A_119, %get3A_121 : vector<16xf32>
      %div3A_123 = arith.divf %add3A_122, %add3A_101 : vector<16xf32>
      %swap3A_124 = arith.constant 32 : index
      %swap3A_125 = tpu.vector_load %arg7[%swap3A_124] {strides = array<i32>} : memref<144xf32, #tpu.memory_space<vmem>>, vector<16xf32>,
      tpu.vector_store %arg7[%swap3A_124], %div3A_123 {strides = array<i32>} : memref<144xf32, #tpu.memory_space<vmem>>, vector<16xf32>,
      %get3A_126 = arith.constant 48 : index
      %get3A_127 = tpu.vector_load %arg8[%get3A_126] {strides = array<i32>} : memref<144xf32, #tpu.memory_space<vmem>>, vector<16xf32>,
      %get3A_128 = arith.constant 48 : index
      %get3A_129 = tpu.vector_load %arg9[%get3A_128] {strides = array<i32>} : memref<144xf32, #tpu.memory_space<vmem>>, vector<16xf32>,
      %add3A_130 = arith.addf %get3A_127, %get3A_129 : vector<16xf32>
      %div3A_131 = arith.divf %add3A_130, %add3A_101 : vector<16xf32>
      %swap3A_132 = arith.constant 48 : index
      %swap3A_133 = tpu.vector_load %arg7[%swap3A_132] {strides = array<i32>} : memref<144xf32, #tpu.memory_space<vmem>>, vector<16xf32>,
      tpu.vector_store %arg7[%swap3A_132], %div3A_131 {strides = array<i32>} : memref<144xf32, #tpu.memory_space<vmem>>, vector<16xf32>,
      %get3A_134 = arith.constant 64 : index
      %get3A_135 = tpu.vector_load %arg8[%get3A_134] {strides = array<i32>} : memref<144xf32, #tpu.memory_space<vmem>>, vector<16xf32>,
      %get3A_136 = arith.constant 64 : index
      %get3A_137 = tpu.vector_load %arg9[%get3A_136] {strides = array<i32>} : memref<144xf32, #tpu.memory_space<vmem>>, vector<16xf32>,
      %add3A_138 = arith.addf %get3A_135, %get3A_137 : vector<16xf32>
      %div3A_139 = arith.divf %add3A_138, %add3A_101 : vector<16xf32>
      %swap3A_140 = arith.constant 64 : index
      %swap3A_141 = tpu.vector_load %arg7[%swap3A_140] {strides = array<i32>} : memref<144xf32, #tpu.memory_space<vmem>>, vector<16xf32>,
      tpu.vector_store %arg7[%swap3A_140], %div3A_139 {strides = array<i32>} : memref<144xf32, #tpu.memory_space<vmem>>, vector<16xf32>,
      %get3A_142 = arith.constant 80 : index
      %get3A_143 = tpu.vector_load %arg8[%get3A_142] {strides = array<i32>} : memref<144xf32, #tpu.memory_space<vmem>>, vector<16xf32>,
      %get3A_144 = arith.constant 80 : index
      %get3A_145 = tpu.vector_load %arg9[%get3A_144] {strides = array<i32>} : memref<144xf32, #tpu.memory_space<vmem>>, vector<16xf32>,
      %add3A_146 = arith.addf %get3A_143, %get3A_145 : vector<16xf32>
      %div3A_147 = arith.divf %add3A_146, %add3A_101 : vector<16xf32>
      %swap3A_148 = arith.constant 80 : index
      %swap3A_149 = tpu.vector_load %arg7[%swap3A_148] {strides = array<i32>} : memref<144xf32, #tpu.memory_space<vmem>>, vector<16xf32>,
      tpu.vector_store %arg7[%swap3A_148], %div3A_147 {strides = array<i32>} : memref<144xf32, #tpu.memory_space<vmem>>, vector<16xf32>,
      %get3A_150 = arith.constant 96 : index
      %get3A_151 = tpu.vector_load %arg8[%get3A_150] {strides = array<i32>} : memref<144xf32, #tpu.memory_space<vmem>>, vector<16xf32>,
      %get3A_152 = arith.constant 96 : index
      %get3A_153 = tpu.vector_load %arg9[%get3A_152] {strides = array<i32>} : memref<144xf32, #tpu.memory_space<vmem>>, vector<16xf32>,
      %add3A_154 = arith.addf %get3A_151, %get3A_153 : vector<16xf32>
      %div3A_155 = arith.divf %add3A_154, %add3A_101 : vector<16xf32>
      %swap3A_156 = arith.constant 96 : index
      %swap3A_157 = tpu.vector_load %arg7[%swap3A_156] {strides = array<i32>} : memref<144xf32, #tpu.memory_space<vmem>>, vector<16xf32>,
      tpu.vector_store %arg7[%swap3A_156], %div3A_155 {strides = array<i32>} : memref<144xf32, #tpu.memory_space<vmem>>, vector<16xf32>,
      %get3A_158 = arith.constant 112 : index
      %get3A_159 = tpu.vector_load %arg8[%get3A_158] {strides = array<i32>} : memref<144xf32, #tpu.memory_space<vmem>>, vector<16xf32>,
      %get3A_160 = arith.constant 112 : index
      %get3A_161 = tpu.vector_load %arg9[%get3A_160] {strides = array<i32>} : memref<144xf32, #tpu.memory_space<vmem>>, vector<16xf32>,
      %add3A_162 = arith.addf %get3A_159, %get3A_161 : vector<16xf32>
      %div3A_163 = arith.divf %add3A_162, %add3A_101 : vector<16xf32>
      %swap3A_164 = arith.constant 112 : index
      %swap3A_165 = tpu.vector_load %arg7[%swap3A_164] {strides = array<i32>} : memref<144xf32, #tpu.memory_space<vmem>>, vector<16xf32>,
      tpu.vector_store %arg7[%swap3A_164], %div3A_163 {strides = array<i32>} : memref<144xf32, #tpu.memory_space<vmem>>, vector<16xf32>,
      "tpu.region"() ({
        %run_scoped3A = tpu.sem_alloc : memref<!tpu.dma_semaphore, #tpu.memory_space<semaphore_mem>>
        %dma_start3A_166 = arith.constant 0 : i32
        %dma_start3A_167 = tpu.memref_slice %arg7[%dma_start3A_166] : memref<144xf32, #tpu.memory_space<vmem>> -> memref<128xf32, #tpu.memory_space<vmem>>
        %dma_start3A_168 = arith.constant 0 : i32
        %dma_start3A_169 = tpu.memref_slice %arg4[%add3A, %dma_start3A_168] : memref<16x128xf32, #tpu.memory_space<hbm>> -> memref<1x128xf32, #tpu.memory_space<hbm>>
        %dma_start3A_170 = tpu.memref_squeeze %dma_start3A_169 : memref<1x128xf32, #tpu.memory_space<hbm>> -> memref<128xf32, #tpu.memory_space<hbm>>
        %dma_start3A_171 = arith.constant 0 : i32
        %dma_start3A_172 = tpu.memref_slice %arg4[%add3A, %dma_start3A_171] : memref<16x128xf32, #tpu.memory_space<hbm>> -> memref<1x128xf32, #tpu.memory_space<hbm>>
        %dma_start3A_173 = tpu.memref_squeeze %dma_start3A_172 : memref<1x128xf32, #tpu.memory_space<hbm>> -> memref<128xf32, #tpu.memory_space<hbm>>
        %dma_start3A_174 = arith.constant 0 : i32
        %dma_start3A_175 = tpu.memref_slice %arg7[%dma_start3A_174] : memref<144xf32, #tpu.memory_space<vmem>> -> memref<128xf32, #tpu.memory_space<vmem>>
        tpu.enqueue_dma source(%dma_start3A_175 : memref<128xf32, #tpu.memory_space<vmem>>) target(%dma_start3A_173 : memref<128xf32, #tpu.memory_space<hbm>>) target_semaphore(%run_scoped3A : memref<!tpu.dma_semaphore, #tpu.memory_space<semaphore_mem>>)
        %dma_wait3A = arith.constant 0 : i32
        %dma_wait3A_176 = tpu.memref_slice %arg7[%dma_wait3A] : memref<144xf32, #tpu.memory_space<vmem>> -> memref<128xf32, #tpu.memory_space<vmem>>
        %dma_wait3A_177 = arith.constant 0 : i32
        %dma_wait3A_178 = tpu.memref_slice %arg4[%add3A, %dma_wait3A_177] : memref<16x128xf32, #tpu.memory_space<hbm>> -> memref<1x128xf32, #tpu.memory_space<hbm>>
        %dma_wait3A_179 = tpu.memref_squeeze %dma_wait3A_178 : memref<1x128xf32, #tpu.memory_space<hbm>> -> memref<128xf32, #tpu.memory_space<hbm>>
        %dma_wait3A_180 = arith.constant 0 : i32
        %dma_wait3A_181 = tpu.memref_slice %arg4[%add3A, %dma_wait3A_180] : memref<16x128xf32, #tpu.memory_space<hbm>> -> memref<1x128xf32, #tpu.memory_space<hbm>>
        %dma_wait3A_182 = tpu.memref_squeeze %dma_wait3A_181 : memref<1x128xf32, #tpu.memory_space<hbm>> -> memref<128xf32, #tpu.memory_space<hbm>>
        %dma_wait3A_183 = arith.constant 0 : i32
        %dma_wait3A_184 = tpu.memref_slice %arg7[%dma_wait3A_183] : memref<144xf32, #tpu.memory_space<vmem>> -> memref<128xf32, #tpu.memory_space<vmem>>
        tpu.wait_dma2 semaphore(%run_scoped3A : memref<!tpu.dma_semaphore, #tpu.memory_space<semaphore_mem>>) src(%dma_wait3A_184 : memref<128xf32, #tpu.memory_space<vmem>>) dst(%dma_wait3A_182 : memref<128xf32, #tpu.memory_space<hbm>>)
        tpu.yield
      }) : () -> ()
    } else {
    }
    return
  }
}

</mosaic_0001>

<sc_bundles>
// kernel: kernel.3.cloned.1.call-start
scs
__scs_entry_jumppad:
0x0: {  	(pc) =	sbr.rel $0x88, $3  }
0x1: {  	(tag) =	ssettag $0x0;
	lr =	simm.s32 $0x1  }
0x2: {  	[smem:$0x3F9F] =	sst lr;
	_ =	strace $0xD0000000  }
0x3: {  	_ = 	snop  }
0x4: {  	_ = 	snop  }
0x5: {  	_ = 	snop  }
0x6: {  	_ = 	snop  }
0x7: {  	_ = 	snop  }
__scs_overlays_trampoline_lowered:
0x8: {  	[smem:$0x3FAE] =	sst s0  }
0x9: {  	[smem:$0x3FAF] =	sst s1  }
0xa: {  	[smem:$0x3FB0] =	sst s2  }
0xb: {  	[smem:$0x3FB1] =	sst s3  }
0xc: {  	[smem:$0x3FB2] =	sst s4  }
0xd: {  	[smem:$0x3FB3] =	sst s5  }
0xe: {  	[smem:$0x3FB4] =	sst s6  }
0xf: {  	[smem:$0x3FB5] =	sst s7  }
0x10: {  	[smem:$0x3FB6] =	sst s8  }
0x11: {  	[smem:$0x3FB7] =	sst s9;
	s0 =	simm.s32 @!p0 $0x0  }
0x12: {  	s1 =	sld [smem:$0x3F9D];
	s0 =	simm.s32 @p0 $0x1  }
0x13: {  	[smem:$0x3FB8] =	sst s0;
	s0 =	simm.s32 @!p1 $0x0  }
0x14: {  	s2 =	sld [smem:$0x3F9C];
	s0 =	simm.s32 @p1 $0x1  }
0x15: {  	[smem:$0x3FB9] =	sst s0;
	s0 =	simm.s32 @!p2 $0x0  }
0x16: {  	s3 =	sld [smem:$0x3FDB];
	s0 =	simm.s32 @p2 $0x1  }
0x17: {  	s4 =	simm.s32 $0x1BF5;
	[smem:$0x3FBB] =	sst s0  }
0x18: {  	s0 =	sld [smem:$0x3F9E];
	_ =	swait.ge [sflag:s4], $0x0  }
0x19: {  	s7 =	sld [smem:$0x3F9F]  }
0x1a: {  	s8 =	sadd.s32 $0xFFFFE003, lr  }
0x1b: {  	s9 =	sadd.s32 $0xFFFFFEF7, lr;
	s5 =	simm.s32 $0xFFFFFFFF;
	p2 =	slt.u32 s8, $0xFFFFF086  }
0x1c: {  	p1 =	slt.u32 s9, $0xF7A;
	s5 =	simm.s32 @!p2 $0x0  }
0x1d: {  	s5 =	simm.s32 @p1 $0x1;
	p0 =	seq.s32 s7, s2  }
0x1e: {  	s7 =	smul.u32 @!p0 $0xF7A, s2;
	p2 =	seq.s32 @!p0 s5, $0x0  }
0x1f: {  	s9 =	smul.u32 $0xF7A, s1;
	s8 =	simm.s32 @!p0 $0x1BF5;
	p2 =	por !p2, p0  }
0x20: {  	[sflag:s8] =	ssyncset.s32 @!p0 $0xFFFFF086;
	s6 =	sadd.s32 @!p0 s3, s7;
	s7 =	simm.s32 @!p0 $0x108  }
0x21: {  	s3 =	sadd.s32 s3, s9;
	s6 =	sadd.s32 @!p0 $0x88, s6;
	s7 =	simm.s32 @p2 $0x1082  }
0x22: {  	[simem:s7], [sflag:s8] =	dma.local @!p0 [hbm:s6], $0xF7A  }
0x23: {  	s9 =	sor.u32 $0xD0000000, s2;
	s6 =	simm.s32 $0x108;
	_ =	swait.ge @!p0 [sflag:s8], $0x0  }
0x24: {  	s3 =	sadd.s32 $0x88, s3;
	s6 =	simm.s32 @!p1 $0x1082;
	[sflag:s4] =	ssyncset.s32 $0xFFFFF086  }
0x25: {  	[simem:s6], [sflag:s4] =	dma.local [hbm:s3], $0xF7A  }
0x26: {  	[smem:$0x3F9F] =	sst s1;
	(tag) =	ssettag s2;
	_ =	strace s9  }
0x27: {  	s1 =	sld [smem:$0x3FAF]  }
0x28: {  	s2 =	sld [smem:$0x3FB0]  }
0x29: {  	s4 =	sld [smem:$0x3FB2]  }
0x2a: {  	p0 =	seq.s32 s5, $0x0;
	s5 =	sld [smem:$0x3FB3]  }
0x2b: {  	s6 =	sld [smem:$0x3FB4]  }
0x2c: {  	s7 =	sld [smem:$0x3FB5]  }
0x2d: {  	s3 =	simm.s32 $0x108;
	s8 =	sld [smem:$0x3FB6]  }
0x2e: {  	s3 =	simm.s32 @!p0 $0x1082;
	s9 =	sld [smem:$0x3FB7]  }
0x2f: {  	lr =	sadd.s32 s0, s3;
	s0 =	sld [smem:$0x3FAE]  }
0x30: {  	s3 =	sld [smem:$0x3FB1]  }
0x31: {  	[smem:$0x3FBA] =	sst s10  }
0x32: {  	s10 =	sld [smem:$0x3FB8];
	_ =	sdelay $0x3  }
0x33: {  	p0 =	seq.s32 s10, $0x1;
	s10 =	sld [smem:$0x3FBA];
	_ =	sdelay $0x3  }
0x34: {  	[smem:$0x3FBA] =	sst s10  }
0x35: {  	s10 =	sld [smem:$0x3FB9];
	_ =	sdelay $0x3  }
0x36: {  	p1 =	seq.s32 s10, $0x1;
	s10 =	sld [smem:$0x3FBA];
	_ =	sdelay $0x3  }
0x37: {  	[smem:$0x3FBA] =	sst s10  }
0x38: {  	s10 =	sld [smem:$0x3FBB]  }
0x39: {  	_ = 	snop;
	(pc) =	sbr.ind lr, $3  }
0x3a: {  	_ = 	snop  }
0x3b: {  	_ = 	snop  }
0x3c: {  	p2 =	seq.s32 s10, $0x1;
	s10 =	sld [smem:$0x3FBA]  }
0x3d: {  	_ =	shalt  }
0x3e: {  	_ =	shalt  }
0x3f: {  	_ =	shalt  }
0x40: {  	_ =	shalt  }
0x41: {  	_ =	shalt  }
0x42: {  	_ =	shalt  }
0x43: {  	_ =	shalt  }
0x44: {  	_ =	shalt  }
0x45: {  	_ =	shalt  }
0x46: {  	_ =	shalt  }
0x47: {  	_ =	shalt  }
0x48: {  	_ =	shalt  }
0x49: {  	_ =	shalt  }
0x4a: {  	_ =	shalt  }
0x4b: {  	_ =	shalt  }
0x4c: {  	_ =	shalt  }
0x4d: {  	_ =	shalt  }
0x4e: {  	_ =	shalt  }
0x4f: {  	_ =	shalt  }
0x50: {  	_ =	shalt  }
0x51: {  	_ =	shalt  }
0x52: {  	_ =	shalt  }
0x53: {  	_ =	shalt  }
0x54: {  	_ =	shalt  }
0x55: {  	_ =	shalt  }
0x56: {  	_ =	shalt  }
0x57: {  	_ =	shalt  }
0x58: {  	_ =	shalt  }
0x59: {  	_ =	shalt  }
0x5a: {  	_ =	shalt  }
0x5b: {  	_ =	shalt  }
0x5c: {  	_ =	shalt  }
0x5d: {  	_ =	shalt  }
0x5e: {  	_ =	shalt  }
0x5f: {  	_ =	shalt  }
0x60: {  	_ =	shalt  }
0x61: {  	_ =	shalt  }
0x62: {  	_ =	shalt  }
0x63: {  	_ =	shalt  }
0x64: {  	_ =	shalt  }
0x65: {  	_ =	shalt  }
0x66: {  	_ =	shalt  }
0x67: {  	_ =	shalt  }
0x68: {  	_ =	shalt  }
0x69: {  	_ =	shalt  }
0x6a: {  	_ =	shalt  }
0x6b: {  	_ =	shalt  }
0x6c: {  	_ =	shalt  }
0x6d: {  	_ =	shalt  }
0x6e: {  	_ =	shalt  }
0x6f: {  	_ =	shalt  }
0x70: {  	_ =	shalt  }
0x71: {  	_ =	shalt  }
0x72: {  	_ =	shalt  }
0x73: {  	_ =	shalt  }
0x74: {  	_ =	shalt  }
0x75: {  	_ =	shalt  }
0x76: {  	_ =	shalt  }
0x77: {  	_ =	shalt  }
0x78: {  	_ =	shalt  }
0x79: {  	_ =	shalt  }
0x7a: {  	_ =	shalt  }
0x7b: {  	_ =	shalt  }
0x7c: {  	_ =	shalt  }
0x7d: {  	_ =	shalt  }
0x7e: {  	_ =	shalt  }
0x7f: {  	_ =	shalt  }
0x80: {  	_ =	shalt  }
0x81: {  	_ =	shalt  }
0x82: {  	_ =	shalt  }
0x83: {  	_ =	shalt  }
0x84: {  	_ =	shalt  }
0x85: {  	_ =	shalt  }
0x86: {  	_ =	shalt  }
0x87: {  	_ =	shalt  }
.Lfunc_end0:
.L_simem_size_0:
called_computation_lowered:
.L_overlay_start_0:
0x88: {  	s2 =	sld [smem:$0x3FD9]  }
0x89: {  	s3 =	sld [smem:$0x3FFE];
	_ =	sdelay $0x1  }
0x8a: {  	s1 =	srdreg.scid  }
0x8b: {  	s0 =	sand.u32 $0x1, s1  }
0x8c: {  	s17 =	sshll.u32 s0, $0xA;
	s2 =	sadd.s32 s3, s2  }
0x8d: {  	s2 =	sadd.s32 s2, s17  }
0x8e: {  	[smem:$0x3FC6] =	sst s2  }
0x8f: {  	_ = 	snop  }
0x90: {  	s2 =	sld [smem:$0x3FC9]  }
0x91: {  	s18 =	sld [smem:$0x3FD0];
	(tm) =	ssettm $0x1  }
0x92: {  	s4 =	sld [smem:$0x3FFB];
	_ =	sdelay $0x3  }
0x93: {  	_ =	strace s4  }
0x94: {  	s4 =	sld [smem:$0x3FFC];
	_ =	sdelay $0x3  }
0x95: {  	_ =	strace s4  }
0x96: {  	s4 =	sld [smem:$0x3FFD];
	_ =	sdelay $0x3  }
0x97: {  	_ =	strace s4  }
0x98: {  	_ =	strace $0x8FFFFFFF  }
0x99: {  	s19 =	sld [smem:$0x3FDB];
	_ =	sdelay $0x1  }
0x9a: {  	s5 =	simm.s32 $_scs_section_size  }
0x9b: {  	s6 =	simm.s32 $_size__tile_overlayer_lowered;
	s7 =	simm.s32 $_tile_overlayer_lowered  }
0x9c: {  	s22 =	simm.s32 $0x1BFF;
	s21 =	sshll.u32 s7, $0x1;
	s4 =	sadd.s32 s5, s19  }
0x9d: {  	s8 =	simm.s32 $0x0;
	s20 =	sshll.u32 s6, $0x1;
	s6 =	sadd.s32 s21, s4  }
0x9e: {  	[timem:s8], [sflag:s22] =	dma.local [hbm:s6], s20  }
0x9f: {  	_ =	swait.ge [sflag:s22], s20  }
0xa0: {  	s5 =	ssub.s32 $0x0, s20;
	[sflag:s22] =	ssyncset.done $0x0  }
0xa1: {  	[sflag:s22] =	ssyncadd.s32 s5;
	_ =	sdelay $0x1  }
0xa2: {  	s23 =	simm.s32 $0x1B8B  }
0xa3: {  	_ =	swait.ge [sflag:s23], $0x1  }
0xa4: {  	[sflag:s23] =	ssyncset.done $0x0  }
0xa5: {  	s25 =	simm.s32 $0x1B8E;
	s24 =	sld [smem:$0x3FFE];
	[sflag:s23] =	ssyncadd.s32 $0xFFFFFFFF  }
0xa6: {  	s26 =	simm.s32 $execute0_lowered;
	[smem:$0x3FD2] =	sst s25  }
0xa7: {  	s6 =	sshll.u32 s26, $0x1;
	_ =	strace $0x80000046;
	[dreg:$0x1] =	wrdreg $0xFFFFFFFF  }
0xa8: {  	s28 =	simm.s32 $_size_execute0_lowered;
	s4 =	sadd.s32 s4, s6;
	[dreg:$0x0] =	wrdreg $0x0  }
0xa9: {  	s6 =	sshll.u32 s28, $0x1;
	[dreg:$0x2] =	wrdreg s4  }
0xaa: {  	[dreg:$0x3] =	wrdreg s6  }
0xab: {  	[dreg:$0x4] =	wrdreg $0xC0  }
0xac: {  	_ =	task [dreg:s8], $0x5FFFF  }
0xad: {  	[dreg:$0x1] =	wrdreg $0xFFFFFFFF  }
0xae: {  	[dreg:$0x0] =	wrdreg $0x60  }
0xaf: {  	[dreg:$0x2] =	wrdreg s2  }
0xb0: {  	[dreg:$0x3] =	wrdreg s24  }
0xb1: {  	[dreg:$0x4] =	wrdreg s18  }
0xb2: {  	[dreg:$0x5] =	wrdreg $0x105B00  }
0xb3: {  	[dreg:$0x6] =	wrdreg $0x9  }
0xb4: {  	_ =	task.clear_ibuf [dreg:s8], $0x7FFFF;
	_ =	strace $0x90000046  }
0xb5: {  	s29 =	simm.s32 $0x9;
	_ =	strace $0x80000048  }
0xb6: {  	_ =	swait.ge [sflag:s29], $0x1  }
0xb7: {  	[sflag:s29] =	ssyncadd.s32 $0xFFFFFFFF  }
0xb8: {  	_ =	strace $0x90000048  }
0xb9: {  	_ =	sfence  }
0xba: {  	s30 =	sld [smem:$0x0];
	_ =	sdelay $0x2  }
0xbb: {  	s31 =	sshll.u32 s1, $0xD;
	s1 =	sshrl.u32 s1, $0x2  }
0xbc: {  	s3 =	sand.u32 $0x4000, s31;
	s1 =	sadd.s32 s1, s30  }
0xbd: {  	s0 =	sor.u32 s3, s0;
	s1 =	sshll.u32 s1, $0x11  }
0xbe: {  	s0 =	sor.u32 s1, s0  }
0xbf: {  	s0 =	sadd.s32 $0x8F2B, s0  }
0xc0: {  	[sflag:s0] =	ssyncadd.remote.s32 $0x1  }
0xc1: {  	_ =	sfence.sel $0xFFFF  }
0xc2: {  	[dreg:$0x0] =	wrdreg $0xFFFFFFFF;
	(pc) =	sbr.abs _section_cstart, $3  }
0xc3: {  	[dreg:$0x1] =	wrdreg $0xFFFFFFFF  }
0xc4: {  	_ =	task.clear_ibuf [dreg:s8], $0x2FFFF;
	_ =	strace $0x9FFFFFFF  }
0xc5: {  	(tm) =	ssettm $0x7FFFFFFF  }
tec
execute0_lowered:
.L_overlay_start_1:
0x0: {  	(tag) =	ssettag $0x1  }
0x1: {  	s5 =	rddreg [dreg:$0x0]  }
0x2: {  	s3 =	rddreg [dreg:$0x1];
	s1 =	srdreg.scid  }
0x3: {  	s7 =	rddreg [dreg:$0x2];
	s0 =	stileid.u32  }
0x4: {  	s6 =	rddreg [dreg:$0x3];
	s4 =	sand.u32 $0x1, s1;
	s8 =	sshrl.u32 s0, $0x1  }
0x5: {  	s1 =	rddreg [dreg:$0x4];
	s11 =	sand.u32 $0x1, s0;
	s12 =	smul.u32 $0x240, s0  }
0x6: {  	s2 =	sshll.u32 s4, $0x3;
	s10 =	sshll.u32 s11, $0xA;
	s4 =	ssub.s32 $0x2, s4  }
0x7: {  	p0 =	sne.s32 s11, $0x0;
	s11 =	simm.s32 $0x10400;
	s8 =	sor.u32 s8, s2  }
0x8: {  	s2 =	simm.s32 $0x0;
	s30 =	sshrl.u32 s4, $0x1;
	s31 =	sshrl.u32 s12, $0x2  }
0x9: {  	s12 =	simm.s32 $0x0;
	s9 =	sshll.u32 s8, $0xB;
	[smem:$0x7FF] =	sst s2  }
0xa: {  	s8 =	sshll.u32 s8, $0x4;
	s9 =	sor.u32 s10, s9;
	_ =	strace $0x80000047  }
0xb: {  	s7 =	sadd.s32 s7, s8;
	s10 =	sshrl.u32 s9, $0x3;
	s9 =	sshll.u32 s9, $0x4  }
0xc: {  	s3 =	sadd.s32 s10, s3;
	s10 =	ssub.s32 s4, s30;
	s4 =	sadd.s32 s31, s6  }
0xd: {  	s5 =	sadd.s32 s5, s9;
	s9 =	simm.s32 $0x10000;
	s3 =	sadd.s32 $0x400, s3  }
0xe: {  	v15 =	vimm.f32 $1.000000000e+00;
	s6 =	sadd.s32 $0x90, s4;
	s8 =	smax.u32 s10, $0x1;
	s10 =	simm.s32 $0x3  }
.LBB2_1:
0xf: {  	[tilespmem:s9], [sflag:$0x3] =	stream.linear.gather [hbm4b:s3+s2], $0x400, $0x38;
	[tilespmem:$0x10640] =	vst v63  }
0x10: {  	p1 =	por $0x0, $0x0  }
.Ltmp0:
0x11: {  	_ =	swait.ge [sflag:s10], $0x400;
	(pc) =	sbr.rel @p1 .LBB2_3-.Ltmp0, $4  }
0x12: {  	[sflag:s10] =	ssyncset.done $0x0  }
0x13: {  	s14 =	simm.s32 $0x0;
	[sflag:s10] =	ssyncadd.s32 $0xFFFFFC00  }
0x14: {  	[tilespmem:s2], [sflag:$0x1] =	stream.linear.gather [hbm4b:s5+s2], $0x8000, $0x38;
	[tilespmem:$0x10640] =	vst v63  }
0x15: {  	v0 =	vimm.s32 $0x0;
	s13 =	simm.s32 $0x40;
	v1 =	vld [tilespmem:s14+$0x10000]  }
.LBB2_2:
0x16: {  	_ =	sdelay $0x1  }
0x17: {  	p1 =	seq.s32 s13, $0xFC0  }
.Ltmp1:
0x18: {  	_ = 	snop;
	(pc) =	sbr.rel @!p1 .LBB2_2-.Ltmp1, $4  }
0x19: {  	vm0 =	vne.s32 v1, $0x5  }
0x1a: {  	v2 =	vmpcnt.ones.xlane vm0  }
0x1b: {  	s14 =	sshra.s32 s13, $0x2  }
0x1c: {  	s13 =	sadd.s32 $0x40, s13;
	v1 =	vld [tilespmem:s14+$0x10000];
	v0 =	vadd.s32 v0, v2  }
.LBB2_3:
0x1d: {  	_ =	sdelay $0x3  }
0x1e: {  	vm0 =	vne.s32 v1, $0x5  }
0x1f: {  	v1 =	vmpcnt.ones.xlane vm0  }
0x20: {  	v6 =	vimm.f32 $0.0e+00;
	v7 =	vimm.f32 $0.0e+00;
	v2 =	vimm.f32 $0.0e+00  }
0x21: {  	v46 =	vimm.f32 $0.0e+00;
	v26 =	vimm.f32 $0.0e+00;
	[tilespmem:$0x1FFF0] =	vst v2;
	v0 =	vadd.s32 v0, v1  }
0x22: {  	s14 =	simm.s32 $0x0;
	s13 =	simm.s32 $0x10000;
	p1 =	por $0x0, $0x0;
	v29 =	vimm.f32 $0.0e+00;
	v1 =	vimm.f32 $0.0e+00;
	[tilespmem:$0x1FFE0] =	vst v0;
	v0 =	vimm.f32 $0.0e+00  }
.LBB2_5:
0x23: {  	s15 =	smov.u32 s14;
	s16 =	sand.u32 $0x1, s14  }
0x24: {  	s14 =	sadd.s32 $0x1, s14;
	p2 =	seq.s32 s16, $0x1;
	p3 =	seq.s32 s15, $0x3  }
0x25: {  	s17 =	sshll.u32 @!p2 s14, $0xC;
	s18 =	simm.s32 @!p2 $0x0;
	p3 =	por !p2, p3  }
0x26: {  	s19 =	simm.s32 @!p2 $0x8000;
	s17 =	sadd.s32 @!p2 s17, s5;
	s15 =	sshll.u32 @!p3 s14, $0xC  }
0x27: {  	[tilespmem:s19], [sflag:$0x2] =	stream.linear.gather @!p2 [hbm4b:s17+s18], $0x8000, $0x38;
	[tilespmem:$0x10640] =	vst v63  }
0x28: {  	s15 =	sadd.s32 @!p3 s15, s5;
	s17 =	simm.s32 @!p3 $0x0  }
0x29: {  	[tilespmem:s17], [sflag:$0x1] =	stream.linear.gather @!p3 [hbm4b:s15+s17], $0x8000, $0x38;
	[tilespmem:$0x10640] =	vst v63  }
0x2a: {  	[tilespmem:$0x1FE50] =	vst v7;
	p3 =	sne.s32 s16, $0x0  }
0x2b: {  	[tilespmem:$0x1FE60] =	vst v0;
	s15 =	simm.s32 @!p3 $0x1  }
0x2c: {  	_ =	swait.ge @!p3 [sflag:s15], $0x8000  }
0x2d: {  	v0 =	vmov s13;
	[sflag:s15] =	ssyncset.done @!p3 $0x0  }
0x2e: {  	s17 =	simm.s32 @p2 $0x2;
	[sflag:s15] =	ssyncadd.s32 @!p3 $0xFFFF8000  }
0x2f: {  	s16 =	simm.s32 $0x1;
	_ =	swait.ge @p2 [sflag:s17], $0x8000  }
0x30: {  	s16 =	simm.s32 @!p1 $0x0;
	[sflag:s17] =	ssyncset.done @p2 $0x0  }
0x31: {  	s31 =	simm.s32 $0x0;
	s30 =	sshll.u32 s16, $0xF;
	[sflag:s17] =	ssyncadd.s32 @p2 $0xFFFF8000  }
0x32: {  	s15 =	sor.u32 $0x400, s30;
	v2 =	vld.idx.msk [tilespmem:v0+s31+$0x0 ss:$0x1], $0xffff  }
0x33: {  	[tilespmem:$0x1FE70] =	vst v0;
	v0 =	vld [tilespmem:s15+$0x130];
	_ =	sdelay $0x4  }
0x34: {  	[tilespmem:$0x1FF40] =	vst v0;
	v0 =	vld [tilespmem:s15+$0x140];
	_ =	sdelay $0x4  }
0x35: {  	[tilespmem:$0x1FF50] =	vst v0;
	v0 =	vld [tilespmem:s15+$0x150];
	_ =	sdelay $0x1  }
0x36: {  	v16 =	vld [tilespmem:s15+$0x380]  }
0x37: {  	v17 =	vld [tilespmem:s15+$0x390]  }
0x38: {  	v20 =	vld [tilespmem:s15+$0x3A0]  }
0x39: {  	[tilespmem:$0x1FF60] =	vst v0;
	v0 =	vld [tilespmem:s15+$0x80]  }
0x3a: {  	v21 =	vld [tilespmem:s15+$0x3B0]  }
0x3b: {  	v51 =	vld [tilespmem:s15+$0x3C0]  }
0x3c: {  	v52 =	vld [tilespmem:s15+$0x3D0]  }
0x3d: {  	v53 =	vld [tilespmem:s15+$0x300]  }
0x3e: {  	[tilespmem:$0x1FF70] =	vst v0;
	v0 =	vld [tilespmem:s15+$0x90]  }
0x3f: {  	v54 =	vld [tilespmem:s15+$0x310]  }
0x40: {  	v55 =	vld [tilespmem:s15+$0x320]  }
0x41: {  	v56 =	vld [tilespmem:s15+$0x330]  }
0x42: {  	v57 =	vld [tilespmem:s15+$0x340]  }
0x43: {  	[tilespmem:$0x1FF80] =	vst v0;
	v0 =	vld [tilespmem:s15+$0xA0]  }
0x44: {  	v3 =	vld [tilespmem:s15+$0x350]  }
0x45: {  	v59 =	vld [tilespmem:s15+$0x280]  }
0x46: {  	v60 =	vld [tilespmem:s15+$0x290]  }
0x47: {  	v61 =	vld [tilespmem:s15+$0x2A0]  }
0x48: {  	[tilespmem:$0x1FF90] =	vst v0;
	v0 =	vld [tilespmem:s15+$0xB0]  }
0x49: {  	v62 =	vld [tilespmem:s15+$0x2B0]  }
0x4a: {  	v63 =	vld [tilespmem:s15+$0x2C0]  }
0x4b: {  	v7 =	vld [tilespmem:s15+$0x2D0]  }
0x4c: {  	v8 =	vld [tilespmem:s15+$0x200]  }
0x4d: {  	[tilespmem:$0x1FFA0] =	vst v0;
	v0 =	vld [tilespmem:s15+$0xC0]  }
0x4e: {  	v11 =	vld [tilespmem:s15+$0x210]  }
0x4f: {  	v14 =	vld [tilespmem:s15+$0x220]  }
0x50: {  	v50 =	vld [tilespmem:s15+$0x230]  }
0x51: {  	v25 =	vld [tilespmem:s15+$0x240]  }
0x52: {  	vm0 =	veq.s32 v2, $0x5;
	[tilespmem:$0x1FFB0] =	vst v0;
	v0 =	vld [tilespmem:s15+$0xD0]  }
0x53: {  	v12 =	vld [tilespmem:s15+$0x250];
	v31 =	vsel vm0, $0x0, v15  }
0x54: {  	v49 =	vld [tilespmem:s15+$0x180];
	v58 =	vbroadcast v31, $0xE  }
0x55: {  	v48 =	vld [tilespmem:s15+$0x190];
	v2 =	vbroadcast v31, $0xF;
	v5 =	vbroadcast v31, $0xC  }
0x56: {  	v34 =	vld [tilespmem:s15+$0xFFFFFC00];
	v4 =	vbroadcast v31, $0xD;
	v10 =	vbroadcast v31, $0xA  }
0x57: {  	v36 =	vld [tilespmem:s15+$0xFFFFFC10];
	v9 =	vbroadcast v31, $0xB;
	[tilespmem:$0x1FFC0] =	vst v0;
	v0 =	vmul.f32 v16, v2  }
0x58: {  	v37 =	vld [tilespmem:s15+$0xFFFFFC20];
	v18 =	vbroadcast v31, $0x8;
	v15 =	vbroadcast v31, $0x9  }
0x59: {  	v22 =	vbroadcast v31, $0x6;
	v19 =	vbroadcast v31, $0x7;
	[tilespmem:$0x1FE80] =	vst v0;
	v0 =	vld [tilespmem:$0x1FFF0]  }
0x5a: {  	v38 =	vld [tilespmem:s15+$0xFFFFFC30];
	v24 =	vbroadcast v31, $0x4;
	v32 =	vbroadcast v31, $0x0  }
0x5b: {  	v43 =	vld [tilespmem:s15+$0xFFFFFC90];
	v23 =	vbroadcast v31, $0x5;
	v28 =	vbroadcast v31, $0x2  }
0x5c: {  	v41 =	vld [tilespmem:s15+$0xFFFFFC80];
	v27 =	vbroadcast v31, $0x3;
	v42 =	vmul.f32 v32, v34  }
0x5d: {  	v44 =	vld [tilespmem:s15+$0xFFFFFCA0];
	v31 =	vbroadcast v31, $0x1;
	v20 =	vmul.f32 v20, v2  }
0x5e: {  	v16 =	vmul.f32 v32, v36;
	v36 =	vmovc v6;
	v6 =	vld [tilespmem:s15+$0xFFFFFD10];
	v42 =	vadd.f32 v42, v0;
	v0 =	vmul.f32 v17, v2  }
0x5f: {  	v21 =	vmul.f32 v21, v2;
	[tilespmem:$0x1FEA0] =	vst v20;
	v17 =	vmul.f32 v32, v37;
	v37 =	vmov v1;
	v1 =	vld [tilespmem:s15+$0xFFFFFD00]  }
0x60: {  	v20 =	vmul.f32 v38, v32;
	v38 =	vmul.f32 v43, v31;
	[tilespmem:$0x1FE90] =	vst v0;
	v0 =	vld [tilespmem:s15+$0xFFFFFCB0]  }
0x61: {  	v16 =	vadd.f32 v16, v29;
	v17 =	vadd.f32 v17, v26;
	v26 =	vmul.f32 v51, v2;
	v51 =	vld [tilespmem:s15+$0xFFFFFD20]  }
0x62: {  	v13 =	vld [tilespmem:s15+$0x1A0];
	[tilespmem:$0x1FEB0] =	vst v21;
	v21 =	vmul.f32 v41, v31  }
0x63: {  	v30 =	vld [tilespmem:s15+$0x1B0];
	v20 =	vadd.f32 v20, v46;
	v46 =	vmul.f32 v44, v31;
	v16 =	vadd.f32 v38, v16  }
0x64: {  	v34 =	vld [tilespmem:s15+$0xFFFFFD80];
	v38 =	vmul.f32 v54, v58;
	v21 =	vadd.f32 v21, v42;
	v1 =	vmul.f32 v1, v28  }
0x65: {  	v6 =	vmul.f32 v6, v28;
	[tilespmem:$0x1FEC0] =	vst v26;
	v26 =	vmul.f32 v52, v2;
	v52 =	vld [tilespmem:s15+$0xFFFFFD30];
	v17 =	vadd.f32 v46, v17  }
0x66: {  	v54 =	vld [tilespmem:s15+$0xFFFFFD90];
	v0 =	vmul.f32 v0, v31;
	v1 =	vadd.f32 v1, v21;
	v21 =	vmul.f32 v51, v28  }
0x67: {  	v6 =	vadd.f32 v6, v16;
	v16 =	vmul.f32 v57, v58;
	v46 =	vld [tilespmem:s15+$0xFFFFFE00]  }
0x68: {  	v0 =	vadd.f32 v0, v20;
	v20 =	vld [tilespmem:s15+$0xFFFFFDA0];
	v17 =	vadd.f32 v21, v17;
	v21 =	vmul.f32 v3, v58  }
0x69: {  	[tilespmem:$0x1FEE0] =	vst v16;
	v51 =	vld [tilespmem:s15+$0xFFFFFDB0]  }
0x6a: {  	v16 =	vmul.f32 v52, v28;
	v3 =	vld [tilespmem:s15+$0xFFFFFE20];
	[tilespmem:$0x1FEF0] =	vst v21;
	v21 =	vmul.f32 v34, v27  }
0x6b: {  	v34 =	vld [tilespmem:s15+$0xFFFFFE10]  }
0x6c: {  	v0 =	vadd.f32 v16, v0;
	v16 =	vmul.f32 v54, v27;
	v1 =	vadd.f32 v21, v1;
	v21 =	vld [tilespmem:s15+$0xFFFFFE30]  }
0x6d: {  	[tilespmem:$0x1FED0] =	vst v26;
	v26 =	vmul.f32 v59, v4;
	v59 =	vld [tilespmem:s15+$0xFFFFFE80];
	v20 =	vmul.f32 v20, v27  }
0x6e: {  	v41 =	vmul.f32 v60, v4;
	v60 =	vld [tilespmem:s15+$0xFFFFFE90];
	v54 =	vmul.f32 v7, v4;
	v6 =	vadd.f32 v16, v6  }
0x6f: {  	v16 =	vmul.f32 v51, v27;
	v17 =	vadd.f32 v20, v17;
	v20 =	vmul.f32 v46, v24;
	v46 =	vld [tilespmem:s15+$0xFFFFFEA0]  }
0x70: {  	v33 =	vld [tilespmem:s15+$0x1C0];
	v7 =	vmul.f32 v3, v24;
	v3 =	vmul.f32 v8, v5  }
0x71: {  	v35 =	vld [tilespmem:s15+$0x1D0];
	v0 =	vadd.f32 v16, v0;
	v16 =	vmul.f32 v34, v24;
	v8 =	vmul.f32 v21, v24  }
0x72: {  	v34 =	vmul.f32 v11, v5;
	v11 =	vmul.f32 v59, v23;
	v1 =	vadd.f32 v20, v1;
	v20 =	vld [tilespmem:s15+$0xFFFFFEB0]  }
0x73: {  	v6 =	vadd.f32 v16, v6;
	v16 =	vld [tilespmem:s15+$0xFFFFFF00];
	v0 =	vadd.f32 v8, v0;
	v8 =	vmul.f32 v60, v23  }
0x74: {  	v39 =	vld [tilespmem:s15+$0x100];
	v7 =	vadd.f32 v7, v17;
	v1 =	vadd.f32 v11, v1;
	v11 =	vmul.f32 v46, v23  }
0x75: {  	v51 =	vmul.f32 v14, v5;
	v14 =	vld [tilespmem:s15+$0xFFFFFF20];
	v6 =	vadd.f32 v8, v6;
	v8 =	vmul.f32 v25, v5  }
0x76: {  	v17 =	vld [tilespmem:s15+$0xFFFFFF10];
	v7 =	vadd.f32 v11, v7;
	v11 =	vmul.f32 v12, v5  }
0x77: {  	[tilespmem:$0x1FF00] =	vst v8;
	v8 =	vmul.f32 v20, v23;
	v20 =	vld [tilespmem:s15+$0xFFFFFF80]  }
0x78: {  	v45 =	vld [tilespmem:s15+$0x110];
	[tilespmem:$0x1FF10] =	vst v11;
	v11 =	vmul.f32 v16, v22  }
0x79: {  	v40 =	vld [tilespmem:s15+$0x120]  }
0x7a: {  	v47 =	vld [tilespmem:s15+$0x0];
	v1 =	vadd.f32 v11, v1;
	v11 =	vmul.f32 v14, v22  }
0x7b: {  	v52 =	vmul.f32 v62, v4;
	v0 =	vadd.f32 v8, v0;
	v8 =	vmul.f32 v17, v22;
	v17 =	vld [tilespmem:s15+$0xFFFFFFA0]  }
0x7c: {  	v62 =	vmul.f32 v13, v9;
	v13 =	vld [tilespmem:s15+$0x20];
	v7 =	vadd.f32 v11, v7;
	v11 =	vmul.f32 v20, v19  }
0x7d: {  	v43 =	vmul.f32 v55, v58;
	v21 =	vld [tilespmem:s15+$0xFFFFFF30]  }
0x7e: {  	v55 =	vmul.f32 v49, v9;
	v49 =	vld [tilespmem:s15+$0xFFFFFEC0];
	v1 =	vadd.f32 v11, v1;
	v11 =	vmul.f32 v35, v9  }
0x7f: {  	v44 =	vmul.f32 v56, v58;
	v14 =	vld [tilespmem:s15+$0xFFFFFFB0]  }
0x80: {  	v56 =	vmul.f32 v50, v5;
	v50 =	vld [tilespmem:s15+$0xFFFFFED0];
	[tilespmem:$0x1FF30] =	vst v11;
	v11 =	vmul.f32 v17, v19  }
0x81: {  	v13 =	vmul.f32 v13, v18;
	v12 =	vld [tilespmem:s15+$0x30]  }
0x82: {  	v59 =	vld [tilespmem:s15+$0xFFFFFE40];
	v6 =	vadd.f32 v8, v6;
	v8 =	vmul.f32 v21, v22;
	v7 =	vadd.f32 v11, v7  }
0x83: {  	v16 =	vld [tilespmem:s15+$0xFFFFFF90]  }
0x84: {  	v0 =	vadd.f32 v8, v0;
	v14 =	vmul.f32 v14, v19;
	v7 =	vadd.f32 v13, v7;
	v13 =	vld [tilespmem:$0x1FF60]  }
0x85: {  	v60 =	vld [tilespmem:s15+$0xFFFFFFC0]  }
0x86: {  	v21 =	vld [tilespmem:s15+$0x10];
	v12 =	vmul.f32 v12, v18;
	v8 =	vmul.f32 v33, v9;
	v0 =	vadd.f32 v14, v0  }
0x87: {  	v25 =	vld [tilespmem:s15+$0x50]  }
0x88: {  	[tilespmem:$0x1FF20] =	vst v8;
	v8 =	vmul.f32 v16, v19;
	v17 =	vmul.f32 v47, v18;
	v0 =	vadd.f32 v12, v0;
	v12 =	vld [tilespmem:$0x1FF80]  }
0x89: {  	v47 =	vmul.f32 v40, v10;
	v40 =	vmul.f32 v13, v10;
	v13 =	vld [tilespmem:$0x1FF70]  }
0x8a: {  	v16 =	vld [tilespmem:s15+$0x40]  }
0x8b: {  	v6 =	vadd.f32 v8, v6;
	v14 =	vmul.f32 v21, v18;
	v8 =	vld [tilespmem:$0x1FF40]  }
0x8c: {  	v49 =	vmul.f32 v49, v23;
	v50 =	vmul.f32 v50, v23;
	v11 =	vld [tilespmem:$0x1FF50]  }
0x8d: {  	v1 =	vadd.f32 v17, v1;
	v17 =	vld [tilespmem:$0x1FFB0];
	v6 =	vadd.f32 v14, v6;
	v12 =	vmul.f32 v12, v15  }
0x8e: {  	v29 =	vmul.f32 v53, v58;
	v14 =	vld [tilespmem:$0x1FF90];
	v13 =	vmul.f32 v13, v15  }
0x8f: {  	v53 =	vmul.f32 v63, v4;
	v63 =	vmul.f32 v30, v9;
	v12 =	vadd.f32 v12, v6;
	v6 =	vld [tilespmem:$0x1FFC0]  }
0x90: {  	v30 =	vmul.f32 v39, v10;
	v42 =	vmul.f32 v61, v4;
	v13 =	vadd.f32 v13, v1;
	v1 =	vld [tilespmem:$0x1FFA0]  }
0x91: {  	v46 =	vmul.f32 v48, v9;
	v60 =	vmul.f32 v60, v19;
	v35 =	vld [tilespmem:s15+$0xFFFFFFD0]  }
0x92: {  	v33 =	vmul.f32 v45, v10;
	v39 =	vmul.f32 v11, v10;
	v11 =	vld [tilespmem:s15+$0xFFFFFF50]  }
0x93: {  	v57 =	vmul.f32 v16, v18;
	v48 =	vmul.f32 v8, v10;
	v8 =	vld [tilespmem:s15+$0xFFFFFF40]  }
0x94: {  	v16 =	vld [tilespmem:s15+$0xFFFFFDC0];
	v45 =	vmul.f32 v17, v15;
	v14 =	vmul.f32 v14, v15  }
0x95: {  	v17 =	vld [tilespmem:s15+$0xFFFFFE50];
	v6 =	vmul.f32 v6, v15;
	v1 =	vmul.f32 v1, v15  }
0x96: {  	v61 =	vmul.f32 v25, v18;
	v20 =	vadd.f32 v14, v7;
	v14 =	vld [tilespmem:s15+$0xFFFFFDD0];
	v7 =	vmul.f32 v59, v24  }
0x97: {  	[tilespmem:$0x1FFD0] =	vst v6;
	v6 =	vmul.f32 v11, v22;
	v11 =	vadd.f32 v33, v12;
	v12 =	vld [tilespmem:s15+$0xFFFFFD50];
	v21 =	vadd.f32 v1, v0  }
0x98: {  	s16 =	simm.s32 $0x40;
	v1 =	vmul.f32 v35, v19;
	v0 =	vmul.f32 v8, v22;
	v8 =	vadd.f32 v30, v13;
	v13 =	vld [tilespmem:s15+$0xFFFFFD40]  }
.LBB2_6:
0x99: {  	_ = 	snop  }
0x9a: {  	v8 =	vadd.f32 v55, v8;
	_ =	sdelay $0x1  }
0x9b: {  	v8 =	vadd.f32 v3, v8;
	_ =	sdelay $0x1  }
0x9c: {  	v20 =	vadd.f32 v47, v20;
	v8 =	vadd.f32 v26, v8;
	v26 =	vld [tilespmem:$0x1FE80];
	_ =	sdelay $0x1  }
0x9d: {  	v20 =	vadd.f32 v62, v20  }
0x9e: {  	v8 =	vadd.f32 v29, v8  }
0x9f: {  	v20 =	vadd.f32 v51, v20  }
0xa0: {  	v8 =	vadd.f32 v26, v8;
	v26 =	vld [tilespmem:$0x1FEA0]  }
0xa1: {  	v20 =	vadd.f32 v42, v20  }
0xa2: {  	v21 =	vadd.f32 v48, v21  }
0xa3: {  	v20 =	vadd.f32 v43, v20  }
0xa4: {  	v25 =	vld [tilespmem:s15+$0xFFFFFCC0];
	v21 =	vadd.f32 v63, v21  }
0xa5: {  	v35 =	vld [tilespmem:s15+$0xFFFFFCD0];
	v20 =	vadd.f32 v26, v20  }
0xa6: {  	v59 =	vld [tilespmem:s15+$0xFFFFFC50];
	v21 =	vadd.f32 v56, v21  }
0xa7: {  	[tilespmem:$0x1FD50] =	vst v20;
	v20 =	vld [tilespmem:$0x1FEB0]  }
0xa8: {  	v33 =	vld [tilespmem:s15+$0xFFFFFC60];
	v11 =	vadd.f32 v46, v11;
	v21 =	vadd.f32 v52, v21  }
0xa9: {  	v48 =	vld [tilespmem:s15+$0xFFFFFC40]  }
0xaa: {  	v11 =	vadd.f32 v34, v11;
	v34 =	vld [tilespmem:s15+$0xFFFFFC70];
	v21 =	vadd.f32 v44, v21  }
0xab: {  	[tilespmem:$0x1FD30] =	vst v8;
	v8 =	vld [tilespmem:$0x1FE90]  }
0xac: {  	v47 =	vmul.f32 v35, v31;
	v35 =	vld [tilespmem:s15+$0xFFFFFCE0];
	v11 =	vadd.f32 v41, v11;
	v20 =	vadd.f32 v20, v21  }
0xad: {  	v26 =	vld [tilespmem:$0x1FE60]  }
0xae: {  	v17 =	vmul.f32 v17, v24;
	v11 =	vadd.f32 v38, v11;
	[tilespmem:$0x1FD60] =	vst v20;
	v20 =	vld [tilespmem:$0x1FE50]  }
0xaf: {  	v16 =	vmul.f32 v16, v27;
	v14 =	vmul.f32 v14, v27;
	v52 =	vld [tilespmem:s15+$0xFFFFFCF0]  }
0xb0: {  	v13 =	vmul.f32 v13, v28;
	v55 =	vmul.f32 v33, v32;
	v42 =	vld [tilespmem:s15+$0xFFFFFD60];
	v8 =	vadd.f32 v8, v11  }
0xb1: {  	v48 =	vmul.f32 v48, v32;
	v38 =	vmul.f32 v59, v32;
	v59 =	vld [tilespmem:s15+$0xFFFFFD70]  }
0xb2: {  	v62 =	vmul.f32 v35, v31;
	v11 =	vld [tilespmem:s15+$0xFFFFFDE0];
	[tilespmem:$0x1FD40] =	vst v8;
	v8 =	vmul.f32 v34, v32;
	v35 =	vadd.f32 v55, v26  }
0xb3: {  	v63 =	vld [tilespmem:s15+$0xFFFFFDF0];
	v25 =	vmul.f32 v25, v31;
	v21 =	vadd.f32 v38, v36;
	v20 =	vadd.f32 v48, v20  }
0xb4: {  	v41 =	vld [tilespmem:s15+$0xFFFFFE60];
	v31 =	vmul.f32 v52, v31;
	v8 =	vadd.f32 v8, v37;
	v32 =	vadd.f32 v62, v35  }
0xb5: {  	v12 =	vmul.f32 v12, v28;
	v43 =	vld [tilespmem:s15+$0xFFFFFE70];
	v21 =	vadd.f32 v47, v21;
	v20 =	vadd.f32 v25, v20  }
0xb6: {  	v8 =	vadd.f32 v31, v8;
	v31 =	vld [tilespmem:s15+$0xFFFFFEE0];
	v25 =	vmul.f32 v42, v28;
	v28 =	vmul.f32 v59, v28  }
0xb7: {  	v11 =	vmul.f32 v11, v27;
	v12 =	vadd.f32 v12, v21;
	v13 =	vadd.f32 v13, v20;
	v20 =	vld [tilespmem:s15+$0xFFFFFEF0]  }
0xb8: {  	v21 =	vadd.f32 v25, v32;
	v8 =	vadd.f32 v28, v8;
	v25 =	vmul.f32 v63, v27;
	v27 =	vld [tilespmem:s15+$0xFFFFFF60]  }
0xb9: {  	v12 =	vadd.f32 v14, v12;
	v14 =	vmul.f32 v41, v24;
	v13 =	vadd.f32 v16, v13;
	v16 =	vld [tilespmem:s15+$0xFFFFFF70]  }
0xba: {  	v11 =	vadd.f32 v11, v21;
	v8 =	vadd.f32 v25, v8;
	v21 =	vmul.f32 v43, v24;
	v24 =	vld [tilespmem:s15+$0xFFFFFFE0]  }
0xbb: {  	v12 =	vadd.f32 v17, v12;
	v17 =	vld [tilespmem:s15+$0xFFFFFFF0];
	v7 =	vadd.f32 v7, v13;
	v13 =	vmul.f32 v31, v23  }
0xbc: {  	v11 =	vadd.f32 v14, v11;
	v8 =	vadd.f32 v21, v8;
	v14 =	vmul.f32 v20, v23;
	v20 =	vld [tilespmem:s15+$0x60]  }
0xbd: {  	v12 =	vadd.f32 v50, v12;
	v21 =	vmul.f32 v27, v22;
	v23 =	vld [tilespmem:s15+$0x70];
	v7 =	vadd.f32 v49, v7  }
0xbe: {  	v11 =	vadd.f32 v13, v11;
	v8 =	vadd.f32 v14, v8;
	v13 =	vmul.f32 v16, v22  }
0xbf: {  	v6 =	vadd.f32 v6, v12;
	v12 =	vld [tilespmem:s15+$0xF0];
	v0 =	vadd.f32 v0, v7;
	v7 =	vmul.f32 v24, v19  }
0xc0: {  	v11 =	vadd.f32 v21, v11;
	v8 =	vadd.f32 v13, v8;
	v13 =	vmul.f32 v17, v19  }
0xc1: {  	v1 =	vadd.f32 v1, v6;
	v14 =	vld [tilespmem:s15+$0xE0];
	v6 =	vmul.f32 v20, v18  }
0xc2: {  	v16 =	vld [tilespmem:s15+$0x160];
	v7 =	vadd.f32 v7, v11;
	v11 =	vmul.f32 v23, v18;
	v8 =	vadd.f32 v13, v8  }
0xc3: {  	v17 =	vld [tilespmem:s15+$0x170]  }
0xc4: {  	v6 =	vadd.f32 v6, v7;
	v7 =	vadd.f32 v11, v8;
	v8 =	vmul.f32 v12, v15;
	v12 =	vld [tilespmem:$0x1FFD0]  }
0xc5: {  	v13 =	vld [tilespmem:s15+$0x1E0]  }
0xc6: {  	v18 =	vld [tilespmem:s15+$0x1F0];
	v14 =	vmul.f32 v14, v15  }
0xc7: {  	v1 =	vadd.f32 v61, v1;
	v0 =	vadd.f32 v60, v0;
	v11 =	vld [tilespmem:s15+$0x260]  }
0xc8: {  	v15 =	vld [tilespmem:s15+$0x270];
	v6 =	vadd.f32 v14, v6;
	v7 =	vadd.f32 v8, v7  }
0xc9: {  	v14 =	vld [tilespmem:s15+$0x2F0];
	v8 =	vmul.f32 v17, v10;
	v1 =	vadd.f32 v12, v1;
	v12 =	vmul.f32 v16, v10  }
0xca: {  	v0 =	vadd.f32 v57, v0;
	v13 =	vmul.f32 v13, v9;
	v10 =	vld [tilespmem:s15+$0x2E0]  }
0xcb: {  	v7 =	vadd.f32 v8, v7;
	v8 =	vmul.f32 v18, v9;
	v6 =	vadd.f32 v12, v6;
	v12 =	vld [tilespmem:$0x1FF20]  }
0xcc: {  	v0 =	vadd.f32 v45, v0;
	v11 =	vmul.f32 v11, v5  }
0xcd: {  	v5 =	vmul.f32 v15, v5;
	v7 =	vadd.f32 v8, v7;
	v6 =	vadd.f32 v13, v6;
	v13 =	vld [tilespmem:$0x1FF00]  }
0xce: {  	v0 =	vadd.f32 v39, v0  }
0xcf: {  	v5 =	vadd.f32 v5, v7;
	v10 =	vmul.f32 v10, v4;
	v4 =	vmul.f32 v14, v4  }
0xd0: {  	v0 =	vadd.f32 v12, v0;
	v12 =	vld [tilespmem:$0x1FF30]  }
0xd1: {  	v4 =	vadd.f32 v4, v5;
	v5 =	vld [tilespmem:$0x1FEE0]  }
0xd2: {  	v0 =	vadd.f32 v13, v0;
	v13 =	vld [tilespmem:$0x1FF10]  }
0xd3: {  	v9 =	vld [tilespmem:s15+$0x360];
	v1 =	vadd.f32 v40, v1  }
0xd4: {  	v8 =	vld [tilespmem:s15+$0x3E0];
	v0 =	vadd.f32 v53, v0  }
0xd5: {  	v1 =	vadd.f32 v12, v1;
	v12 =	vld [tilespmem:s15+$0x370]  }
0xd6: {  	v0 =	vadd.f32 v5, v0;
	v5 =	vld [tilespmem:$0x1FEF0]  }
0xd7: {  	v1 =	vadd.f32 v13, v1;
	v13 =	vld [tilespmem:s15+$0x3F0];
	s15 =	sadd.s32 $0x800, s15  }
0xd8: {  	v16 =	vld [tilespmem:s15+$0x380]  }
0xd9: {  	v7 =	vld [tilespmem:s15+$0x390]  }
0xda: {  	v6 =	vadd.f32 v11, v6;
	v11 =	vld [tilespmem:s15+$0x3A0]  }
0xdb: {  	v14 =	vld [tilespmem:s15+$0x330]  }
0xdc: {  	v17 =	vld [tilespmem:s15+$0x340]  }
0xdd: {  	v20 =	vld [tilespmem:s15+$0x350];
	v3 =	vmul.f32 v12, v58  }
0xde: {  	v21 =	vld [tilespmem:s15+$0x280]  }
0xdf: {  	v3 =	vadd.f32 v3, v4;
	v4 =	vld [tilespmem:$0x1FEC0]  }
0xe0: {  	v25 =	vld [tilespmem:s15+$0x290]  }
0xe1: {  	v26 =	vld [tilespmem:s15+$0x2A0]  }
0xe2: {  	v29 =	vld [tilespmem:s15+$0x2B0]  }
0xe3: {  	v30 =	vld [tilespmem:s15+$0x2C0]  }
0xe4: {  	v33 =	vld [tilespmem:s15+$0x2D0];
	v0 =	vadd.f32 v4, v0  }
0xe5: {  	v35 =	vld [tilespmem:s15+$0x200]  }
0xe6: {  	[tilespmem:$0x1FE50] =	vst v0;
	v0 =	vld [tilespmem:$0x1FED0]  }
0xe7: {  	v9 =	vmul.f32 v9, v58;
	v6 =	vadd.f32 v10, v6;
	v39 =	vld [tilespmem:s15+$0x210];
	v1 =	vadd.f32 v54, v1  }
0xe8: {  	v40 =	vld [tilespmem:s15+$0x220]  }
0xe9: {  	v6 =	vadd.f32 v9, v6;
	v45 =	vld [tilespmem:s15+$0x230];
	v1 =	vadd.f32 v5, v1;
	v5 =	vmul.f32 v8, v2  }
0xea: {  	v46 =	vld [tilespmem:s15+$0x240]  }
0xeb: {  	v47 =	vld [tilespmem:s15+$0x250];
	v2 =	vmul.f32 v13, v2;
	v0 =	vadd.f32 v0, v1;
	v1 =	vadd.f32 v5, v6  }
0xec: {  	v48 =	vld [tilespmem:s15+$0x180]  }
0xed: {  	[tilespmem:$0x1FE60] =	vst v1;
	v1 =	vadd.f32 v2, v3;
	v2 =	vld [tilespmem:$0x1FE70]  }
0xee: {  	v49 =	vld [tilespmem:s15+$0x190]  }
0xef: {  	v50 =	vld [tilespmem:s15+$0x1A0]  }
0xf0: {  	v60 =	vld [tilespmem:s15+$0x1B0]  }
0xf1: {  	v34 =	vld [tilespmem:s15+$0x1C0]  }
0xf2: {  	v36 =	vld [tilespmem:s15+$0x1D0]  }
0xf3: {  	v37 =	vld [tilespmem:s15+$0x100]  }
0xf4: {  	s17 =	sshra.s32 s16, $0x2;
	v38 =	vld [tilespmem:s15+$0x110]  }
0xf5: {  	v2 =	vld.idx.msk [tilespmem:v2+s17+$0x0 ss:$0x1], $0xffff  }
0xf6: {  	v41 =	vld [tilespmem:s15+$0x120]  }
0xf7: {  	v42 =	vld [tilespmem:s15+$0x130]  }
0xf8: {  	v43 =	vld [tilespmem:s15+$0x140]  }
0xf9: {  	v44 =	vld [tilespmem:s15+$0x150]  }
0xfa: {  	v51 =	vld [tilespmem:s15+$0x80];
	vm0 =	veq.s32 v2, $0x5;
	v2 =	vimm.f32 $1.000000000e+00  }
0xfb: {  	v52 =	vld [tilespmem:s15+$0x90];
	v31 =	vsel vm0, $0x0, v2  }
0xfc: {  	v53 =	vld [tilespmem:s15+$0xA0];
	v58 =	vbroadcast v31, $0xE  }
0xfd: {  	v54 =	vld [tilespmem:s15+$0xC0];
	v2 =	vbroadcast v31, $0xF;
	v5 =	vbroadcast v31, $0xC  }
0xfe: {  	v12 =	vld [tilespmem:s15+$0x3B0];
	v4 =	vbroadcast v31, $0xD;
	v10 =	vbroadcast v31, $0xA  }
0xff: {  	v8 =	vld [tilespmem:s15+$0x3C0];
	v9 =	vbroadcast v31, $0xB;
	v15 =	vbroadcast v31, $0x9  }
0x100: {  	v13 =	vld [tilespmem:s15+$0x3D0];
	v16 =	vmul.f32 v16, v2;
	v7 =	vmul.f32 v7, v2  }
0x101: {  	[tilespmem:$0x1FDC0] =	vst v0;
	v0 =	vld [tilespmem:s15+$0x300];
	v3 =	vmul.f32 v25, v4;
	v25 =	vmul.f32 v29, v4  }
0x102: {  	[tilespmem:$0x1FE20] =	vst v1;
	v1 =	vld [tilespmem:s15+$0x310];
	v29 =	vmul.f32 v33, v4;
	v55 =	vmul.f32 v48, v9  }
0x103: {  	v6 =	vld [tilespmem:s15+$0x320];
	v62 =	vmul.f32 v50, v9;
	v63 =	vmul.f32 v60, v9  }
0x104: {  	v33 =	vld [tilespmem:s15+$0xFFFFFF90];
	v48 =	vmul.f32 v42, v10;
	[tilespmem:$0x1FE90] =	vst v7;
	v7 =	vmul.f32 v11, v2  }
0x105: {  	v60 =	vld [tilespmem:s15+$0xFFFFFE80];
	v50 =	vmul.f32 v51, v15;
	v56 =	vmul.f32 v54, v15;
	[tilespmem:$0x1FDA0] =	vst v3  }
0x106: {  	v42 =	vld [tilespmem:s15+$0xFFFFFD00];
	v3 =	vmul.f32 v26, v4;
	[tilespmem:$0x1FEA0] =	vst v7;
	v7 =	vmul.f32 v12, v2  }
0x107: {  	v51 =	vld [tilespmem:s15+$0xFFFFFCA0];
	v12 =	vmul.f32 v0, v58;
	v0 =	vmul.f32 v1, v58  }
0x108: {  	v54 =	vld [tilespmem:s15+$0xFFFFFD20];
	[tilespmem:$0x1FE80] =	vst v16;
	v1 =	vmul.f32 v6, v58;
	v6 =	vmul.f32 v17, v58  }
0x109: {  	v61 =	vmul.f32 v45, v5;
	v45 =	vld [tilespmem:$0x1FD30];
	[tilespmem:$0x1FD70] =	vst v3  }
0x10a: {  	v59 =	vmul.f32 v40, v5;
	v40 =	vld [tilespmem:s15+$0xFFFFFDB0];
	[tilespmem:$0x1FEE0] =	vst v6;
	v6 =	vmul.f32 v20, v58  }
0x10b: {  	v17 =	vld [tilespmem:s15+$0x30];
	[tilespmem:$0x1FD80] =	vst v1  }
0x10c: {  	v1 =	vmul.f32 v14, v58;
	v14 =	vld [tilespmem:s15+$0x20];
	[tilespmem:$0x1FEF0] =	vst v6;
	v6 =	vmul.f32 v39, v5  }
0x10d: {  	v18 =	vbroadcast v31, $0x8;
	v16 =	vld [tilespmem:s15+$0xB0];
	[tilespmem:$0x1FEB0] =	vst v7;
	v7 =	vmul.f32 v8, v2  }
0x10e: {  	v26 =	vmul.f32 v30, v4;
	v30 =	vld [tilespmem:s15+$0xFFFFFF80];
	[tilespmem:$0x1FDF0] =	vst v6;
	v6 =	vmul.f32 v46, v5  }
0x10f: {  	v3 =	vmul.f32 v35, v5;
	v35 =	vld [tilespmem:s15+$0xFFFFFF00];
	[tilespmem:$0x1FEC0] =	vst v7;
	v7 =	vmul.f32 v13, v2  }
0x110: {  	v20 =	vld [tilespmem:s15+$0x40];
	v46 =	vmul.f32 v49, v9;
	[tilespmem:$0x1FF00] =	vst v6;
	v6 =	vmul.f32 v47, v5  }
0x111: {  	[tilespmem:$0x1FDB0] =	vst v0;
	v49 =	vmul.f32 v14, v18;
	v14 =	vmul.f32 v17, v18;
	v17 =	vld [tilespmem:s15+$0xFFFFFC00]  }
0x112: {  	v8 =	vld [tilespmem:s15+$0xD0];
	[tilespmem:$0x1FF10] =	vst v6;
	v6 =	vmul.f32 v34, v9  }
0x113: {  	v19 =	vbroadcast v31, $0x7;
	v32 =	vbroadcast v31, $0x0;
	v0 =	vld [tilespmem:s15+$0x0];
	[tilespmem:$0x1FED0] =	vst v7  }
0x114: {  	v7 =	vmul.f32 v21, v4;
	v21 =	vld [tilespmem:s15+$0x50];
	[tilespmem:$0x1FF20] =	vst v6;
	v6 =	vmul.f32 v36, v9  }
0x115: {  	v39 =	vld [tilespmem:s15+$0xFFFFFF10];
	v57 =	vmul.f32 v20, v18;
	v20 =	vmul.f32 v30, v19  }
0x116: {  	v30 =	vld [tilespmem:s15+$0xFFFFFC10];
	v17 =	vmul.f32 v32, v17;
	[tilespmem:$0x1FF30] =	vst v6;
	v6 =	vmul.f32 v37, v10  }
0x117: {  	v22 =	vbroadcast v31, $0x6;
	[tilespmem:$0x1FD90] =	vst v1;
	v1 =	vld [tilespmem:s15+$0x10];
	v13 =	vmul.f32 v44, v10  }
0x118: {  	v47 =	vmul.f32 v41, v10;
	v17 =	vadd.f32 v17, v45;
	v45 =	vld [tilespmem:$0x1FD40];
	[tilespmem:$0x1FE30] =	vst v6;
	v6 =	vmul.f32 v38, v10  }
0x119: {  	v44 =	vld [tilespmem:s15+$0xFFFFFC30];
	v11 =	vmul.f32 v21, v18;
	v21 =	vmul.f32 v33, v19  }
0x11a: {  	v41 =	vld [tilespmem:s15+$0xFFFFFD90];
	v33 =	vmul.f32 v35, v22;
	[tilespmem:$0x1FE40] =	vst v6;
	v6 =	vmul.f32 v43, v10  }
0x11b: {  	v35 =	vmul.f32 v39, v22;
	v39 =	vld [tilespmem:s15+$0xFFFFFC20];
	v30 =	vmul.f32 v32, v30  }
0x11c: {  	v34 =	vld [tilespmem:s15+$0xFFFFFE90];
	[tilespmem:$0x1FDD0] =	vst v6;
	v6 =	vmul.f32 v52, v15  }
0x11d: {  	v30 =	vadd.f32 v30, v45;
	v45 =	vld [tilespmem:$0x1FD50]  }
0x11e: {  	v36 =	vld [tilespmem:s15+$0xFFFFFE00];
	[tilespmem:$0x1FDE0] =	vst v6;
	v6 =	vmul.f32 v53, v15  }
0x11f: {  	v24 =	vbroadcast v31, $0x4;
	v37 =	vld [tilespmem:s15+$0xFFFFFE10]  }
0x120: {  	v39 =	vmul.f32 v32, v39;
	v52 =	vld [tilespmem:s15+$0xFFFFFCB0];
	[tilespmem:$0x1FE00] =	vst v6;
	v6 =	vmul.f32 v16, v15  }
0x121: {  	v23 =	vbroadcast v31, $0x5;
	v16 =	vmul.f32 v1, v18;
	v1 =	vld [tilespmem:s15+$0xFFFFFC90]  }
0x122: {  	v28 =	vbroadcast v31, $0x2;
	v39 =	vadd.f32 v39, v45;
	v45 =	vld [tilespmem:$0x1FD60];
	[tilespmem:$0x1FE10] =	vst v6;
	v6 =	vmul.f32 v8, v15  }
0x123: {  	v27 =	vbroadcast v31, $0x3;
	v31 =	vbroadcast v31, $0x1;
	v8 =	vld [tilespmem:s15+$0xFFFFFD10]  }
0x124: {  	[tilespmem:$0x1FFD0] =	vst v6;
	v6 =	vmul.f32 v0, v18;
	v0 =	vld [tilespmem:s15+$0xFFFFFC80]  }
0x125: {  	v42 =	vmul.f32 v42, v28;
	v51 =	vmul.f32 v51, v31;
	v53 =	vld [tilespmem:s15+$0xFFFFFDA0]  }
0x126: {  	v44 =	vmul.f32 v44, v32;
	v38 =	vld [tilespmem:s15+$0xFFFFFD80];
	v1 =	vmul.f32 v1, v31  }
0x127: {  	v43 =	vmul.f32 v60, v23;
	v60 =	vld [tilespmem:s15+$0xFFFFFD30];
	v52 =	vmul.f32 v52, v31  }
0x128: {  	v44 =	vadd.f32 v44, v45;
	v45 =	vld [tilespmem:s15+$0xFFFFFE20];
	v8 =	vmul.f32 v8, v28;
	v1 =	vadd.f32 v1, v30  }
0x129: {  	v41 =	vmul.f32 v41, v27;
	v39 =	vadd.f32 v51, v39;
	v30 =	vld [tilespmem:s15+$0xFFFFFE30];
	v0 =	vmul.f32 v0, v31  }
0x12a: {  	v44 =	vadd.f32 v52, v44;
	v52 =	vld [tilespmem:s15+$0xFFFFFEA0];
	v1 =	vadd.f32 v8, v1;
	v8 =	vmul.f32 v53, v27  }
0x12b: {  	v53 =	vmovc v26;
	v26 =	vmov v7;
	v7 =	vld [tilespmem:$0x1FDE0];
	v0 =	vadd.f32 v0, v17;
	v17 =	vmul.f32 v54, v28  }
0x12c: {  	v54 =	vmovc v29;
	v29 =	vmov v12;
	v12 =	vmul.f32 v60, v28;
	v1 =	vadd.f32 v41, v1;
	v41 =	vld [tilespmem:s15+$0xFFFFFF30]  }
0x12d: {  	v37 =	vmul.f32 v37, v24;
	v0 =	vadd.f32 v42, v0;
	v42 =	vld [tilespmem:s15+$0xFFFFFEB0]  }
0x12e: {  	v17 =	vadd.f32 v17, v39;
	v39 =	vadd.f32 v12, v44;
	v44 =	vld [tilespmem:s15+$0xFFFFFF20]  }
0x12f: {  	v40 =	vmul.f32 v40, v27;
	v1 =	vadd.f32 v37, v1;
	v37 =	vld [tilespmem:s15+$0xFFFFFFB0]  }
0x130: {  	v12 =	vld [tilespmem:s15+$0xFFFFFD50]  }
0x131: {  	v34 =	vmul.f32 v34, v23;
	v8 =	vadd.f32 v8, v17;
	v17 =	vadd.f32 v40, v39;
	v39 =	vld [tilespmem:s15+$0xFFFFFFA0]  }
0x132: {  	v38 =	vmul.f32 v38, v27;
	v40 =	vld [tilespmem:s15+$0xFFFFFFD0]  }
0x133: {  	v60 =	vmul.f32 v45, v24;
	v1 =	vadd.f32 v34, v1;
	v34 =	vld [tilespmem:s15+$0xFFFFFED0]  }
0x134: {  	v36 =	vmul.f32 v36, v24;
	v0 =	vadd.f32 v38, v0;
	v38 =	vld [tilespmem:$0x1FDB0]  }
0x135: {  	v30 =	vmul.f32 v30, v24;
	v8 =	vadd.f32 v60, v8;
	v60 =	vld [tilespmem:s15+$0xFFFFFFC0]  }
0x136: {  	v51 =	vmov v59;
	v59 =	vmul.f32 v52, v23;
	v0 =	vadd.f32 v36, v0;
	v36 =	vld [tilespmem:s15+$0xFFFFFF40]  }
0x137: {  	v45 =	vmov v56;
	v17 =	vadd.f32 v30, v17;
	v30 =	vmul.f32 v42, v23;
	v42 =	vld [tilespmem:$0x1FD70]  }
0x138: {  	v56 =	vmovc v61;
	v1 =	vadd.f32 v35, v1;
	v61 =	vmul.f32 v44, v22;
	v44 =	vld [tilespmem:$0x1FD90];
	v8 =	vadd.f32 v59, v8  }
0x139: {  	v0 =	vadd.f32 v43, v0;
	v59 =	vld [tilespmem:s15+$0xFFFFFEC0]  }
0x13a: {  	v43 =	vld [tilespmem:$0x1FD80];
	v21 =	vadd.f32 v21, v1;
	v35 =	vmul.f32 v39, v19;
	v8 =	vadd.f32 v61, v8  }
0x13b: {  	v17 =	vadd.f32 v30, v17;
	v30 =	vmul.f32 v41, v22;
	v41 =	vld [tilespmem:$0x1FDA0]  }
0x13c: {  	v39 =	vld [tilespmem:$0x1FDD0];
	v21 =	vadd.f32 v16, v21;
	v8 =	vadd.f32 v35, v8  }
0x13d: {  	v0 =	vadd.f32 v33, v0;
	v33 =	vld [tilespmem:s15+$0xFFFFFF50]  }
0x13e: {  	v8 =	vadd.f32 v49, v8;
	v49 =	vmul.f32 v59, v23;
	v59 =	vadd.f32 v7, v21;
	v7 =	vld [tilespmem:$0x1FE00]  }
0x13f: {  	v1 =	vmul.f32 v40, v19;
	v40 =	vmov v13;
	v13 =	vld [tilespmem:s15+$0xFFFFFD40];
	v20 =	vadd.f32 v20, v0  }
0x140: {  	v16 =	vld [tilespmem:s15+$0xFFFFFDC0]  }
0x141: {  	v17 =	vadd.f32 v30, v17;
	v30 =	vmul.f32 v37, v19;
	v37 =	vld [tilespmem:s15+$0xFFFFFE40];
	v20 =	vadd.f32 v6, v20  }
0x142: {  	v61 =	vmov v11;
	v11 =	vld [tilespmem:$0x1FE40]  }
0x143: {  	v6 =	vmul.f32 v33, v22;
	v33 =	vadd.f32 v50, v20;
	v20 =	vadd.f32 v7, v8;
	v7 =	vld [tilespmem:$0x1FE10]  }
0x144: {  	p2 =	seq.s32 s16, $0x3C0;
	v8 =	vld [tilespmem:$0x1FE30]  }
.Ltmp2:
0x145: {  	v0 =	vmul.f32 v36, v22;
	v36 =	vld [tilespmem:$0x1FDC0];
	v30 =	vadd.f32 v30, v17;
	(pc) =	sbr.rel @!p2 .LBB2_6-.Ltmp2, $4  }
0x146: {  	v17 =	vld [tilespmem:s15+$0xFFFFFE50]  }
0x147: {  	v30 =	vadd.f32 v14, v30;
	v14 =	vld [tilespmem:s15+$0xFFFFFDD0]  }
0x148: {  	v60 =	vmul.f32 v60, v19;
	v50 =	vmul.f32 v34, v23;
	v34 =	vld [tilespmem:$0x1FDF0];
	v11 =	vadd.f32 v11, v59  }
0x149: {  	s16 =	sadd.s32 $0x40, s16;
	v52 =	vmovc v25;
	v21 =	vadd.f32 v7, v30;
	v7 =	vmul.f32 v37, v24;
	v37 =	vld [tilespmem:$0x1FE20];
	v8 =	vadd.f32 v8, v33  }
0x14a: {  	v25 =	vld [tilespmem:s15+$0xFFFFFCC0]  }
0x14b: {  	v30 =	vld [tilespmem:s15+$0xFFFFFCD0]  }
0x14c: {  	v33 =	vld [tilespmem:s15+$0xFFFFFC40]  }
0x14d: {  	v59 =	vld [tilespmem:s15+$0xFFFFFC60];
	v21 =	vadd.f32 v48, v21  }
0x14e: {  	v20 =	vadd.f32 v47, v20;
	v35 =	vld [tilespmem:s15+$0xFFFFFCE0]  }
0x14f: {  	v47 =	vld [tilespmem:$0x1FEA0];
	v8 =	vadd.f32 v55, v8;
	v21 =	vadd.f32 v63, v21  }
0x150: {  	v11 =	vadd.f32 v46, v11;
	v20 =	vadd.f32 v62, v20;
	v62 =	vld [tilespmem:s15+$0xFFFFFC70]  }
0x151: {  	v8 =	vadd.f32 v3, v8;
	v21 =	vadd.f32 v56, v21;
	v56 =	vld [tilespmem:s15+$0xFFFFFC50]  }
0x152: {  	v63 =	vld [tilespmem:$0x1FE80];
	v20 =	vadd.f32 v51, v20  }
0x153: {  	v48 =	vld [tilespmem:$0x1FEB0];
	v11 =	vadd.f32 v34, v11;
	v8 =	vadd.f32 v26, v8  }
0x154: {  	v13 =	vmul.f32 v13, v28;
	v51 =	vld [tilespmem:s15+$0xFFFFFD60];
	v20 =	vadd.f32 v42, v20  }
0x155: {  	v12 =	vmul.f32 v12, v28;
	v11 =	vadd.f32 v41, v11;
	v41 =	vld [tilespmem:$0x1FE90];
	v8 =	vadd.f32 v29, v8  }
0x156: {  	v16 =	vmul.f32 v16, v27;
	v20 =	vadd.f32 v43, v20;
	v43 =	vmul.f32 v56, v32;
	v56 =	vld [tilespmem:$0x1FE50]  }
0x157: {  	v21 =	vadd.f32 v52, v21;
	v55 =	vmul.f32 v62, v32;
	v3 =	vadd.f32 v63, v8;
	v63 =	vld [tilespmem:$0x1FE60]  }
0x158: {  	v14 =	vmul.f32 v14, v27;
	v25 =	vmul.f32 v25, v31;
	v11 =	vadd.f32 v38, v11;
	v8 =	vld [tilespmem:s15+$0xFFFFFCF0]  }
0x159: {  	v42 =	vmul.f32 v33, v32;
	v62 =	vld [tilespmem:s15+$0xFFFFFD70];
	v21 =	vadd.f32 v44, v21;
	v26 =	vadd.f32 v55, v37  }
0x15a: {  	v52 =	vmul.f32 v59, v32;
	v37 =	vld [tilespmem:s15+$0xFFFFFDE0];
	v38 =	vadd.f32 v41, v11;
	v34 =	vadd.f32 v47, v20  }
0x15b: {  	v30 =	vmul.f32 v30, v31;
	v46 =	vadd.f32 v48, v21;
	v11 =	vadd.f32 v42, v56  }
0x15c: {  	v59 =	vadd.f32 v43, v36;
	v36 =	vmul.f32 v35, v31;
	v21 =	vadd.f32 v52, v63;
	v42 =	vld [tilespmem:s15+$0xFFFFFDF0]  }
0x15d: {  	v20 =	vmul.f32 v51, v28;
	v43 =	vld [tilespmem:s15+$0xFFFFFE60];
	v8 =	vmul.f32 v8, v31;
	v11 =	vadd.f32 v25, v11  }
0x15e: {  	v47 =	vld [tilespmem:s15+$0xFFFFFE70];
	v44 =	vmul.f32 v62, v28;
	v41 =	vadd.f32 v30, v59;
	v21 =	vadd.f32 v36, v21  }
0x15f: {  	v48 =	vld [tilespmem:s15+$0xFFFFFEE0];
	v51 =	vmul.f32 v37, v27;
	v8 =	vadd.f32 v8, v26;
	v11 =	vadd.f32 v13, v11  }
0x160: {  	v52 =	vld [tilespmem:s15+$0xFFFFFEF0];
	v59 =	vmul.f32 v17, v24;
	v12 =	vadd.f32 v12, v41;
	v20 =	vadd.f32 v20, v21  }
0x161: {  	v56 =	vld [tilespmem:s15+$0xFFFFFF60];
	v8 =	vadd.f32 v44, v8;
	v55 =	vmul.f32 v42, v27;
	v11 =	vadd.f32 v16, v11  }
0x162: {  	v63 =	vld [tilespmem:s15+$0xFFFFFF70];
	v62 =	vmul.f32 v43, v24;
	v12 =	vadd.f32 v14, v12;
	v20 =	vadd.f32 v51, v20  }
0x163: {  	v13 =	vmul.f32 v47, v24;
	v24 =	vld [tilespmem:s15+$0xFFFFFFE0];
	v8 =	vadd.f32 v55, v8;
	v7 =	vadd.f32 v7, v11  }
0x164: {  	v26 =	vld [tilespmem:s15+$0xFFFFFFF0];
	v25 =	vmul.f32 v48, v23;
	v12 =	vadd.f32 v59, v12;
	v17 =	vadd.f32 v62, v20  }
0x165: {  	v28 =	vld [tilespmem:s15+$0x60];
	v27 =	vmul.f32 v52, v23;
	v8 =	vadd.f32 v13, v8;
	v7 =	vadd.f32 v49, v7  }
0x166: {  	v29 =	vld [tilespmem:s15+$0x70];
	v14 =	vmul.f32 v56, v22;
	v12 =	vadd.f32 v50, v12;
	v16 =	vadd.f32 v25, v17  }
0x167: {  	v30 =	vmul.f32 v63, v22;
	v8 =	vadd.f32 v27, v8;
	v0 =	vadd.f32 v0, v7;
	v7 =	vld [tilespmem:s15+$0xE0]  }
0x168: {  	v32 =	vld [tilespmem:s15+$0xF0];
	v6 =	vadd.f32 v6, v12;
	v11 =	vmul.f32 v24, v19;
	v31 =	vadd.f32 v14, v16  }
0x169: {  	v33 =	vmul.f32 v26, v19;
	v8 =	vadd.f32 v30, v8  }
0x16a: {  	v36 =	vld [tilespmem:s15+$0x170];
	v1 =	vadd.f32 v1, v6;
	v6 =	vmul.f32 v28, v18;
	v11 =	vadd.f32 v11, v31  }
0x16b: {  	v35 =	vld [tilespmem:s15+$0x160];
	v37 =	vmul.f32 v29, v18;
	v8 =	vadd.f32 v33, v8  }
0x16c: {  	v42 =	vld [tilespmem:s15+$0x1F0];
	v6 =	vadd.f32 v6, v11;
	v7 =	vmul.f32 v7, v15  }
0x16d: {  	v43 =	vmul.f32 v32, v15;
	v44 =	vld [tilespmem:s15+$0x260];
	v8 =	vadd.f32 v37, v8  }
0x16e: {  	v0 =	vadd.f32 v60, v0;
	v6 =	vadd.f32 v7, v6;
	v7 =	vld [tilespmem:s15+$0x270]  }
0x16f: {  	v51 =	vld [tilespmem:s15+$0x2F0];
	v48 =	vmul.f32 v36, v10;
	v8 =	vadd.f32 v43, v8  }
0x170: {  	v49 =	vld [tilespmem:s15+$0x2E0];
	v0 =	vadd.f32 v57, v0  }
0x171: {  	v55 =	vld [tilespmem:$0x1FF20];
	v52 =	vmul.f32 v42, v9;
	v8 =	vadd.f32 v48, v8  }
0x172: {  	v0 =	vadd.f32 v45, v0;
	v45 =	vld [tilespmem:$0x1FFD0]  }
0x173: {  	v59 =	vmul.f32 v44, v5;
	v8 =	vadd.f32 v52, v8;
	v5 =	vmul.f32 v7, v5;
	v7 =	vld [tilespmem:$0x1FF00]  }
0x174: {  	v41 =	vld [tilespmem:s15+$0x1E0];
	v1 =	vadd.f32 v61, v1;
	v0 =	vadd.f32 v39, v0  }
0x175: {  	v62 =	vmul.f32 v49, v4;
	v4 =	vmul.f32 v51, v4;
	v5 =	vadd.f32 v5, v8  }
0x176: {  	v57 =	vld [tilespmem:$0x1FF30];
	v0 =	vadd.f32 v55, v0  }
0x177: {  	v47 =	vmul.f32 v35, v10;
	v1 =	vadd.f32 v45, v1;
	v4 =	vadd.f32 v4, v5;
	v5 =	vld [tilespmem:$0x1FEE0]  }
0x178: {  	v61 =	vld [tilespmem:$0x1FF10];
	v0 =	vadd.f32 v7, v0  }
0x179: {  	v50 =	vmul.f32 v41, v9;
	v6 =	vadd.f32 v47, v6;
	v1 =	vadd.f32 v40, v1  }
0x17a: {  	v56 =	vld [tilespmem:s15+$0x360];
	v0 =	vadd.f32 v53, v0  }
0x17b: {  	v6 =	vadd.f32 v50, v6;
	v1 =	vadd.f32 v57, v1  }
0x17c: {  	v0 =	vadd.f32 v5, v0;
	v5 =	vld [tilespmem:$0x1FEF0]  }
0x17d: {  	v6 =	vadd.f32 v59, v6;
	v1 =	vadd.f32 v61, v1;
	_ =	sdelay $0x1  }
0x17e: {  	v60 =	vld [tilespmem:s15+$0x370];
	v8 =	vmul.f32 v56, v58;
	v6 =	vadd.f32 v62, v6;
	v1 =	vadd.f32 v54, v1  }
0x17f: {  	v7 =	vld [tilespmem:s15+$0x3E0]  }
0x180: {  	v1 =	vadd.f32 v5, v1;
	v5 =	vadd.f32 v8, v6;
	v6 =	vld [tilespmem:$0x1FEC0];
	_ =	sdelay $0x2  }
0x181: {  	[tilespmem:$0x1FFF0] =	vst v3;
	v3 =	vmul.f32 v60, v58  }
0x182: {  	v63 =	vld [tilespmem:s15+$0x3F0]  }
0x183: {  	v3 =	vadd.f32 v3, v4;
	v4 =	vmul.f32 v7, v2;
	v7 =	vadd.f32 v6, v0;
	v0 =	vld [tilespmem:$0x1FED0];
	_ =	sdelay $0x3  }
0x184: {  	v2 =	vmul.f32 v63, v2  }
0x185: {  	v6 =	vadd.f32 v0, v1  }
0x186: {  	v0 =	vadd.f32 v4, v5;
	v1 =	vadd.f32 v2, v3  }
0x187: {  	p2 =	seq.s32 s14, $0x4  }
.Ltmp3:
0x188: {  	_ = 	snop;
	(pc) =	sbr.rel @!p2 .LBB2_5-.Ltmp3, $2  }
0x189: {  	_ =	sdelay $0x2  }
0x18a: {  	s13 =	sadd.s32 $0x100, s13;
	p1 =	por !p1, !p1;
	v15 =	vimm.f32 $1.000000000e+00;
	v26 =	vmov v34;
	v29 =	vmov v38  }
0x18b: {  	[tilespmem:$0x10410] =	vst v29  }
0x18c: {  	[tilespmem:$0x10420] =	vst v26;
	v63 =	vld [tilespmem:$0x1FFE0]  }
0x18d: {  	v2 =	vld [tilespmem:$0x1FFF0];
	[tilespmem:$0x10430] =	vst v46  }
0x18e: {  	[tilespmem:$0x10440] =	vst v7  }
0x18f: {  	[tilespmem:$0x10450] =	vst v6  }
0x190: {  	[tilespmem:$0x10460] =	vst v0  }
0x191: {  	[tilespmem:$0x10470] =	vst v1;
	v0 =	vcvt.s32.f32 v63  }
0x192: {  	[tilespmem:$0x10400] =	vst v2  }
0x193: {  	[tilespmem:$0x10480] =	vst v0  }
0x194: {  	[spmem:s4] =	stream.linear.scatter [tilespmem:s11], [sflag:$0x3], $0x90, $0x38;
	[tilespmem:$0x10640] =	vst v63  }
0x195: {  	_ =	swait.ge [sflag:s10], $0x90  }
0x196: {  	[sflag:s10] =	ssyncset.done $0x0  }
0x197: {  	[sflag:s10] =	ssyncadd.s32 $0xFFFFFF70  }
0x198: {  	s13 =	simm.s32 @!p0 $0x10490;
	[bflag:$0x0] =	sbarrier.arrive $0xFFFF  }
0x199: {  	[tilespmem:s13], [sflag:$0x3] =	stream.linear.gather @!p0 [spmem:s4], $0x90, $0x38;
	[tilespmem:$0x10640] =	vst v63  }
0x19a: {  	s13 =	simm.s32 @!p0 $0x3  }
0x19b: {  	_ =	swait.ge @!p0 [sflag:s13], $0x90  }
0x19c: {  	[sflag:s13] =	ssyncset.done @!p0 $0x0  }
0x19d: {  	s14 =	simm.s32 @!p0 $0x10520;
	[sflag:s13] =	ssyncadd.s32 @!p0 $0xFFFFFF70  }
0x19e: {  	[tilespmem:s14], [sflag:$0x3] =	stream.linear.gather @!p0 [spmem:s6], $0x90, $0x38;
	[tilespmem:$0x10640] =	vst v63  }
0x19f: {  	_ =	swait.ge @!p0 [sflag:s13], $0x90  }
0x1a0: {  	[sflag:s13] =	ssyncset.done @!p0 $0x0  }
0x1a1: {  	[sflag:s13] =	ssyncadd.s32 @!p0 $0xFFFFFF70  }
0x1a2: {  	v0 =	vld @!p0 [tilespmem:$0x10510]  }
0x1a3: {  	v1 =	vld @!p0 [tilespmem:$0x105A0];
	_ =	sdelay $0x1  }
0x1a4: {  	v2 =	vld @!p0 [tilespmem:$0x10490]  }
0x1a5: {  	v3 =	vld @!p0 [tilespmem:$0x10520]  }
0x1a6: {  	v4 =	vld @!p0 [tilespmem:$0x104A0]  }
0x1a7: {  	v5 =	vld @!p0 [tilespmem:$0x104B0];
	v0 =	vadd.f32 @!p0 v1, v0  }
0x1a8: {  	v6 =	vld @!p0 [tilespmem:$0x104C0]  }
0x1a9: {  	v7 =	vld @!p0 [tilespmem:$0x10550];
	(erf) = vrcp.f32 @!p0 v0  }
0x1aa: {  	v8 =	vld @!p0 [tilespmem:$0x104D0]  }
0x1ab: {  	v9 =	vld @!p0 [tilespmem:$0x10560]  }
0x1ac: {  	v10 =	vld @!p0 [tilespmem:$0x104E0]  }
0x1ad: {  	v1 =	vld @!p0 [tilespmem:$0x10530]  }
0x1ae: {  	v0 =	vld @!p0 [tilespmem:$0x10540]  }
0x1af: {  	v11 =	vld @!p0 [tilespmem:$0x10570]  }
0x1b0: {  	v12 =	vld @!p0 [tilespmem:$0x104F0]  }
0x1b1: {  	v2 =	vadd.f32 @!p0 v3, v2;
	v3 =	vld @!p0 [tilespmem:$0x10580]  }
0x1b2: {  	v1 =	vadd.f32 @!p0 v1, v4;
	v4 =	vld @!p0 [tilespmem:$0x10500];
	v13 =	vpop @!p0 (erf)  }
0x1b3: {  	v0 =	vadd.f32 @!p0 v0, v5;
	v5 =	vld @!p0 [tilespmem:$0x10590];
	v2 =	vmul.f32 @!p0 v2, v13  }
0x1b4: {  	v6 =	vadd.f32 @!p0 v7, v6;
	v1 =	vmul.f32 @!p0 v1, v13  }
0x1b5: {  	v0 =	vmul.f32 @!p0 v0, v13;
	[tilespmem:$0x10400] =	vst @!p0 v2;
	v2 =	vadd.f32 @!p0 v9, v8  }
0x1b6: {  	v6 =	vmul.f32 @!p0 v6, v13;
	[tilespmem:$0x10410] =	vst @!p0 v1;
	v1 =	vadd.f32 @!p0 v11, v10  }
0x1b7: {  	[tilespmem:$0x10420] =	vst @!p0 v0;
	v0 =	vmul.f32 @!p0 v2, v13;
	v2 =	vadd.f32 @!p0 v3, v12  }
0x1b8: {  	[tilespmem:$0x10430] =	vst @!p0 v6;
	v1 =	vmul.f32 @!p0 v1, v13;
	v3 =	vadd.f32 @!p0 v5, v4  }
0x1b9: {  	[tilespmem:$0x10440] =	vst @!p0 v0;
	v0 =	vmul.f32 @!p0 v2, v13  }
0x1ba: {  	s12 =	sadd.s32 $0x1, s12;
	[tilespmem:$0x10450] =	vst @!p0 v1;
	v1 =	vmul.f32 @!p0 v3, v13  }
0x1bb: {  	p1 =	sne.s32 s12, s8;
	[tilespmem:$0x10460] =	vst @!p0 v0  }
.Ltmp4:
0x1bc: {  	s15 =	simm.s32 @!p0 $0x10400;
	s14 =	simm.s32 @!p0 $0x0;
	[tilespmem:$0x10470] =	vst @!p0 v1;
	(pc) =	sbr.rel @p1 .LBB2_1-.Ltmp4, $4  }
0x1bd: {  	[hbm4b:s7+s14] =	stream.linear.scatter @!p0 [tilespmem:s15], [sflag:$0x3], $0x80, $0x38;
	[tilespmem:$0x10640] =	vst v63  }
0x1be: {  	_ =	swait.ge @!p0 [sflag:s13], $0x80  }
0x1bf: {  	[sflag:s13] =	ssyncset.done @!p0 $0x0  }
0x1c0: {  	[sflag:s13] =	ssyncadd.s32 @!p0 $0xFFFFFF80  }
0x1c1: {  	_ =	sfence.sel $0x180000  }
0x1c2: {  	[bflag:$0x0] =	sbarrier.arrive $0xFFFF  }
0x1c3: {  	p0 =	sne.s32 s0, $0x0;
	_ =	strace $0x90000047  }
0x1c4: {  	s0 =	sadd.s32 @!p0 $0x100000, s1;
	[bflag:$0x2] =	sbarrier.arrive $0xFFFF  }
0x1c5: {  	[sflag:s0] =	ssyncadd.tile.s32 @!p0 $0x1;
	_ =	shalt  }
.Lfunc_end2:
_tile_overlayer_lowered:
.L_overlay_start_2:
0x1c6: {  	(tag) =	ssettag $0x2  }
0x1c7: {  	s0 =	rddreg [dreg:$0x0];
	s2 =	stileid.u32  }
0x1c8: {  	s1 =	rddreg [dreg:$0x1];
	p0 =	sne.s32 s2, $0x0  }
0x1c9: {  	s3 =	rddreg [dreg:$0x2];
	[bflag:$0x3] =	sbarrier.arrive $0xFFFF;
	s2 =	simm.s32 @!p0 $0x1C03  }
0x1ca: {  	[timem:s3], [sflag:s2] =	dma.local @!p0 [hbm:s0], s1  }
0x1cb: {  	s0 =	simm.s32 @!p0 $0x3  }
0x1cc: {  	_ =	swait.ge @!p0 [sflag:s0], s1  }
0x1cd: {  	s1 =	ssub.s32 @!p0 $0x0, s1;
	[sflag:s0] =	ssyncset.done @!p0 $0x0  }
0x1ce: {  	[sflag:s0] =	ssyncadd.s32 @!p0 s1  }
0x1cf: {  	[bflag:$0x3] =	sbarrier.arrive $0xFFFF  }
0x1d0: {  	_ =	shalt  }

</sc_bundles>
